<compile_context>
chip_gen: v7x
topology: tpu7x:2x2x1
jax: 0.10.2.dev20260603
libtpu: 0.0.44.dev20260713+nightly
codegen_flags: <defaults>
</compile_context>

<pallas_src>
import functools

import jax
import jax.numpy as jnp
from jax import lax
from jax.experimental import pallas as pl
from jax.experimental.pallas import tpu as pltpu
from jax.experimental.pallas import tpu_sc as plsc

BM = 8192
T = 64
NBUF = 2


def _mm_tanh_kernel(x_ref, w_ref, b_ref, o_ref):
    acc = lax.dot_general(x_ref[...], w_ref[...], (((1,), (1,)), ((), ())),
                          preferred_element_type=jnp.float32)
    h = jnp.tanh(acc + b_ref[...]).astype(jnp.bfloat16)
    d = h.shape[1]
    lo = lax.bitcast_convert_type(h[:, :d // 2], jnp.uint16)
    hi = lax.bitcast_convert_type(h[:, d // 2:], jnp.uint16)
    w = (hi.astype(jnp.uint32) << 16) | lo.astype(jnp.uint32)
    o_ref[...] = lax.bitcast_convert_type(w, jnp.int32)


def _compute_h(x, w1, b1):
    n, d = x.shape
    bm = min(BM, n)
    return pl.pallas_call(
        _mm_tanh_kernel,
        grid=(n // bm,),
        in_specs=[
            pl.BlockSpec((bm, d), lambda i: (i, 0)),
            pl.BlockSpec((d, d), lambda i: (0, 0)),
            pl.BlockSpec((1, d), lambda i: (0, 0)),
        ],
        out_specs=pl.BlockSpec((bm, d // 2), lambda i: (i, 0)),
        out_shape=jax.ShapeDtypeStruct((n, d // 2), jnp.int32),
    )(x, w1, b1)


@functools.partial(jax.jit, static_argnums=(3, 4, 5, 6))
def _sc_pool_dot(h, gidx3, w2p, ntok, d, f_, nc):
    ns = 16
    nw = nc * ns
    tpw = ntok // nw
    nblk = tpw // T
    dw = d // 2
    nch = dw // 16
    seq = gidx3.shape[-1]

    mesh = plsc.VectorSubcoreMesh(core_axis_name="c", subcore_axis_name="s")

    @functools.partial(
        pl.kernel,
        out_type=jax.ShapeDtypeStruct((ntok,), jnp.float32),
        mesh=mesh,
        scratch_types=[
            pltpu.VMEM((NBUF, f_, T, dw), jnp.int32),
            pltpu.VMEM((f_, tpw), jnp.int32),
            pltpu.VMEM((d + 16,), jnp.float32),
            pltpu.VMEM((tpw,), jnp.float32),
            pltpu.SemaphoreType.DMA,
            pltpu.SemaphoreType.DMA,
        ],
        compiler_params=pltpu.CompilerParams(use_tc_tiling_on_sc=False,
                                             needs_layout_passes=False),
    )
    def sc_fn(h_hbm, gidx_hbm, w2p_hbm, out_hbm, rows_v, idx_v, w2_v, out_v,
              sem0, sem1):
        wid = lax.axis_index("s") * nc + lax.axis_index("c")
        base_tok = wid * tpw
        bat = base_tok // seq
        s0 = base_tok - bat * seq
        sems = [sem0, sem1]

        pltpu.sync_copy(w2p_hbm, w2_v)
        b2 = w2_v[pl.ds(d, 16)][0]
        w2es = [w2_v[pl.ds(16 * c, 16)] for c in range(nch)]
        w2os = [w2_v[pl.ds(dw + 16 * c, 16)] for c in range(nch)]

        for ff in range(f_):
            pltpu.sync_copy(gidx_hbm.at[bat, ff, pl.ds(s0, tpw)],
                            idx_v.at[ff])
        boff = jnp.zeros((16,), jnp.int32) + bat * seq

        def off_body(i, carry):
            for ff in range(f_):
                sl = pl.ds(i * 16, 16)
                idx_v[ff, sl] = idx_v[ff, sl] + boff
            return carry

        lax.fori_loop(0, tpw // 16, off_body, 0)

        def issue(blk, s):
            for ff in range(f_):
                pltpu.async_copy(
                    h_hbm.at[idx_v.at[ff, pl.ds(blk * T, T)]],
                    rows_v.at[s, ff], sems[s])

        def wait(blk, s):
            for ff in range(f_):
                pltpu.make_async_copy(
                    h_hbm.at[idx_v.at[ff, pl.ds(blk * T, T)]],
                    rows_v.at[s, ff], sems[s]).wait()

        issue(0, 0)
        issue(1, 1)

        lane_iota = lax.iota(jnp.int32, 16)

        def compute_block(blk, s):
            rows = rows_v.at[s]

            def group_body(g, carry):
                def token_body(tl, resvec):
                    t = g * 16 + tl
                    acc0 = jnp.zeros((16,), jnp.float32)
                    acc1 = jnp.zeros((16,), jnp.float32)
                    for c in range(nch):
                        sl = pl.ds(16 * c, 16)
                        v0 = plsc.bitcast(rows[0, t, sl], jnp.bfloat16)
                        v1 = plsc.bitcast(rows[1, t, sl], jnp.bfloat16)
                        v2 = plsc.bitcast(rows[2, t, sl], jnp.bfloat16)
                        v3 = plsc.bitcast(rows[3, t, sl], jnp.bfloat16)
                        m = jnp.maximum(jnp.maximum(v0, v1),
                                        jnp.maximum(v2, v3))
                        me, mo = plsc.unpack(m, format=plsc.PackFormat.INTERLEAVED)
                        acc0 = acc0 + me * w2es[c]
                        acc1 = acc1 + mo * w2os[c]
                    tot = jnp.sum(acc0 + acc1) + b2
                    return jnp.where(lane_iota == tl, tot, resvec)

                resvec = lax.fori_loop(0, 16, token_body,
                                       jnp.zeros((16,), jnp.float32))
                out_v[pl.ds(blk * T + g * 16, 16)] = resvec
                return carry

            lax.fori_loop(0, T // 16, group_body, 0)

        def outer(i, carry):
            for par in range(NBUF):
                blk = i * NBUF + par
                wait(blk, par)
                compute_block(blk, par)

                @pl.when(blk + NBUF < nblk)
                def _():
                    issue(blk + NBUF, par)
            return carry

        lax.fori_loop(0, nblk // NBUF, outer, 0)
        pltpu.sync_copy(out_v, out_hbm.at[pl.ds(base_tok, tpw)])

    return sc_fn(h, gidx3, w2p)


def kernel(hidden_states, mask, word_set_idx, W1_w, W1_b, w2_w, w2_b):
    del mask
    b, s, d = hidden_states.shape
    f = word_set_idx.shape[-1]
    gidx3 = jnp.transpose(word_set_idx, (0, 2, 1)).astype(jnp.int32)
    w2p = jnp.concatenate([w2_w.reshape(-1), w2_b.reshape(-1),
                           jnp.zeros((15,), jnp.float32)])
    info = plsc.get_sparse_core_info()

    nsplit = 2
    bh = b // nsplit
    outs = []
    for i in range(nsplit):
        xi = hidden_states[i * bh:(i + 1) * bh].reshape(bh * s, d)
        hi = _compute_h(xi, W1_w, W1_b.reshape(1, d))
        gi = gidx3[i * bh:(i + 1) * bh]
        outs.append(_sc_pool_dot(hi, gi, w2p, bh * s, d, f, info.num_cores))
    return jnp.concatenate(outs).reshape(b, s)

# --- scband reference (transcript-rebuilt; emitter-appended) ---
"""Pipeline reference for scband-word-weighting-layer-2551210574013 (READ-ONLY COPY).

The authoritative reference and input builder live on the scoring server;
editing this copy changes nothing except your own understanding.
"""

import jax, jax.numpy as jnp
import numpy as np

B, S, D, F = 8, 2048, 256, 4

def setup_inputs(seed: int = 0) -> dict:
    key = jax.random.key(seed)
    k1, k2, k3, k4 = jax.random.split(key, 4)
    hidden_states = jax.random.normal(k1, (B, S, D), dtype=jnp.float32)
    mask = jnp.ones((B, S), dtype=jnp.float32)
    word_set_idx = jax.random.randint(k2, (B, S, F), 0, S, dtype=jnp.int32)
    W1_w = jax.random.normal(k3, (D, D), dtype=jnp.float32) / np.sqrt(D)
    W1_b = jnp.zeros((D,), dtype=jnp.float32)
    w2_w = jax.random.normal(k4, (1, D), dtype=jnp.float32) / np.sqrt(D)
    w2_b = jnp.zeros((1,), dtype=jnp.float32)
    return {"hidden_states": hidden_states, "mask": mask, "word_set_idx": word_set_idx,
            "W1_w": W1_w, "W1_b": W1_b, "w2_w": w2_w, "w2_b": w2_b}

def reference(hidden_states, mask, word_set_idx, W1_w, W1_b, w2_w, w2_b):
    B_, S_, D_ = hidden_states.shape
    F_ = word_set_idx.shape[-1]
    # h = tanh(W1 @ hidden)
    h = jnp.tanh(hidden_states.reshape(-1, D_) @ W1_w.T + W1_b)
    # aggregate_word: every (batch, seq) position has F_ occurrences -> full mask of ones
    offs = jnp.arange(B_, dtype=word_set_idx.dtype)[:, None, None] * S_
    sel = (offs + word_set_idx + 1).reshape(-1)
    h_pad = jnp.concatenate([jnp.zeros((1, D_), dtype=h.dtype), h], axis=0)
    gathered = jnp.take(h_pad, sel, axis=0).reshape(-1, F_, D_)
    # AdaptiveMaxPool1d(1) over the occurrence axis
    pooled = jnp.max(gathered, axis=1).reshape(B_, S_, D_)
    h_agg = (pooled @ w2_w.T + w2_b).reshape(B_, S_)
    mask_aggregate = jnp.ones((B_, S_), dtype=jnp.float32)
    mask_add = -10000.0 * (1.0 - mask_aggregate)
    return h_agg.astype(jnp.float32) + mask_add

if __name__ == "__main__":
    import jax
    _d = setup_inputs()
    print(jax.jit(kernel)(*tuple(_d.values())))

</pallas_src>

<mosaic_0001>
#map = affine_map<(d0, d1) -> (0, 0)>
#map1 = affine_map<(d0, d1) -> (0, 0, 0)>
#map2 = affine_map<(d0, d1) -> (0)>
module attributes {stable_mosaic.version = 14 : i64} {
  func.func @sc_fn(%arg0: i32, %arg1: i32, %arg2: memref<8192x128xi32, #tpu.memory_space<hbm>>, %arg3: memref<4x4x2048xi32, #tpu.memory_space<hbm>>, %arg4: memref<272xf32, #tpu.memory_space<hbm>>, %arg5: memref<8192xf32, #tpu.memory_space<hbm>>, %arg6: memref<2x4x64x128xi32, #tpu.memory_space<vmem>>, %arg7: memref<4x256xi32, #tpu.memory_space<vmem>>, %arg8: memref<272xf32, #tpu.memory_space<vmem>>, %arg9: memref<256xf32, #tpu.memory_space<vmem>>, %arg10: memref<!tpu.dma_semaphore, #tpu.memory_space<semaphore_mem>>, %arg11: memref<!tpu.dma_semaphore, #tpu.memory_space<semaphore_mem>>) attributes {dimension_semantics = [#tpu.dimension_semantics<core_parallel>, #tpu.dimension_semantics<subcore_parallel>], iteration_bounds = array<i64: 2, 16>, scalar_prefetch = 0 : i64, scratch_operands = 6 : i64, tpu.core_type = #tpu.core_type<sc_vector_subcore>, window_params = [{transform_indices = #map}, {transform_indices = #map1}, {transform_indices = #map2}, {transform_indices = #map2}]} {
    %mul3A = arith.constant 2 : i32
    %mul3A_0 = arith.muli %arg1, %mul3A : i32
    %add3A = arith.addi %mul3A_0, %arg0 : i32
    %mul3A_1 = arith.constant 256 : i32
    %mul3A_2 = arith.muli %add3A, %mul3A_1 : i32
    %jit3A = arith.constant 2048 : i32
    %div3A = arith.divsi %mul3A_2, %jit3A : i32
    %sign3A = arith.constant 0 : i32
    %sign3A_3 = arith.cmpi sgt, %mul3A_2, %sign3A : i32
    %sign3A_4 = arith.extui %sign3A_3 : i1 to i32
    %sign3A_5 = arith.constant 0 : i32
    %sign3A_6 = arith.cmpi slt, %mul3A_2, %sign3A_5 : i32
    %sign3A_7 = arith.extui %sign3A_6 : i1 to i32
    %sign3A_8 = arith.subi %sign3A_4, %sign3A_7 : i32
    %sign3A_9 = arith.constant 0 : i32
    %sign3A_10 = arith.cmpi sgt, %jit3A, %sign3A_9 : i32
    %sign3A_11 = arith.extui %sign3A_10 : i1 to i32
    %sign3A_12 = arith.constant 0 : i32
    %sign3A_13 = arith.cmpi slt, %jit3A, %sign3A_12 : i32
    %sign3A_14 = arith.extui %sign3A_13 : i1 to i32
    %sign3A_15 = arith.subi %sign3A_11, %sign3A_14 : i32
    %ne3A = arith.cmpi ne, %sign3A_8, %sign3A_15 : i32
    %rem3A = arith.remsi %mul3A_2, %jit3A : i32
    %ne3A_16 = arith.constant 0 : i32
    %ne3A_17 = arith.cmpi ne, %rem3A, %ne3A_16 : i32
    %and3A = arith.andi %ne3A, %ne3A_17 : i1
    %sub3A = arith.constant 1 : i32
    %sub3A_18 = arith.subi %div3A, %sub3A : i32
    %select_n3A = arith.select %and3A, %sub3A_18, %div3A : i32
    %mul3A_19 = arith.constant 2048 : i32
    %mul3A_20 = arith.muli %select_n3A, %mul3A_19 : i32
    %sub3A_21 = arith.subi %mul3A_2, %mul3A_20 : i32
    "tpu.region"() ({
      %run_scoped3A_181 = tpu.sem_alloc : memref<!tpu.dma_semaphore, #tpu.memory_space<semaphore_mem>>
      tpu.enqueue_dma source(%arg4 : memref<272xf32, #tpu.memory_space<hbm>>) target(%arg8 : memref<272xf32, #tpu.memory_space<vmem>>) target_semaphore(%run_scoped3A_181 : memref<!tpu.dma_semaphore, #tpu.memory_space<semaphore_mem>>)
      tpu.wait_dma2 semaphore(%run_scoped3A_181 : memref<!tpu.dma_semaphore, #tpu.memory_space<semaphore_mem>>) src(%arg4 : memref<272xf32, #tpu.memory_space<hbm>>) dst(%arg8 : memref<272xf32, #tpu.memory_space<vmem>>)
      tpu.yield
    }) : () -> ()
    %get3A = arith.constant 256 : index
    %get3A_22 = tpu.vector_load %arg8[%get3A] {strides = array<i32>} : memref<272xf32, #tpu.memory_space<vmem>>, vector<16xf32>,
    %slice3A = vector.extract_strided_slice %get3A_22 {offsets = [0], sizes = [1], strides = [1]} : vector<16xf32> to vector<1xf32>
    %squeeze3A = vector.extract %slice3A[0] : f32 from vector<1xf32>
    %get3A_23 = arith.constant 0 : index
    %get3A_24 = tpu.vector_load %arg8[%get3A_23] {strides = array<i32>} : memref<272xf32, #tpu.memory_space<vmem>>, vector<16xf32>,
    %get3A_25 = arith.constant 16 : index
    %get3A_26 = tpu.vector_load %arg8[%get3A_25] {strides = array<i32>} : memref<272xf32, #tpu.memory_space<vmem>>, vector<16xf32>,
    %get3A_27 = arith.constant 32 : index
    %get3A_28 = tpu.vector_load %arg8[%get3A_27] {strides = array<i32>} : memref<272xf32, #tpu.memory_space<vmem>>, vector<16xf32>,
    %get3A_29 = arith.constant 48 : index
    %get3A_30 = tpu.vector_load %arg8[%get3A_29] {strides = array<i32>} : memref<272xf32, #tpu.memory_space<vmem>>, vector<16xf32>,
    %get3A_31 = arith.constant 64 : index
    %get3A_32 = tpu.vector_load %arg8[%get3A_31] {strides = array<i32>} : memref<272xf32, #tpu.memory_space<vmem>>, vector<16xf32>,
    %get3A_33 = arith.constant 80 : index
    %get3A_34 = tpu.vector_load %arg8[%get3A_33] {strides = array<i32>} : memref<272xf32, #tpu.memory_space<vmem>>, vector<16xf32>,
    %get3A_35 = arith.constant 96 : index
    %get3A_36 = tpu.vector_load %arg8[%get3A_35] {strides = array<i32>} : memref<272xf32, #tpu.memory_space<vmem>>, vector<16xf32>,
    %get3A_37 = arith.constant 112 : index
    %get3A_38 = tpu.vector_load %arg8[%get3A_37] {strides = array<i32>} : memref<272xf32, #tpu.memory_space<vmem>>, vector<16xf32>,
    %get3A_39 = arith.constant 128 : index
    %get3A_40 = tpu.vector_load %arg8[%get3A_39] {strides = array<i32>} : memref<272xf32, #tpu.memory_space<vmem>>, vector<16xf32>,
    %get3A_41 = arith.constant 144 : index
    %get3A_42 = tpu.vector_load %arg8[%get3A_41] {strides = array<i32>} : memref<272xf32, #tpu.memory_space<vmem>>, vector<16xf32>,
    %get3A_43 = arith.constant 160 : index
    %get3A_44 = tpu.vector_load %arg8[%get3A_43] {strides = array<i32>} : memref<272xf32, #tpu.memory_space<vmem>>, vector<16xf32>,
    %get3A_45 = arith.constant 176 : index
    %get3A_46 = tpu.vector_load %arg8[%get3A_45] {strides = array<i32>} : memref<272xf32, #tpu.memory_space<vmem>>, vector<16xf32>,
    %get3A_47 = arith.constant 192 : index
    %get3A_48 = tpu.vector_load %arg8[%get3A_47] {strides = array<i32>} : memref<272xf32, #tpu.memory_space<vmem>>, vector<16xf32>,
    %get3A_49 = arith.constant 208 : index
    %get3A_50 = tpu.vector_load %arg8[%get3A_49] {strides = array<i32>} : memref<272xf32, #tpu.memory_space<vmem>>, vector<16xf32>,
    %get3A_51 = arith.constant 224 : index
    %get3A_52 = tpu.vector_load %arg8[%get3A_51] {strides = array<i32>} : memref<272xf32, #tpu.memory_space<vmem>>, vector<16xf32>,
    %get3A_53 = arith.constant 240 : index
    %get3A_54 = tpu.vector_load %arg8[%get3A_53] {strides = array<i32>} : memref<272xf32, #tpu.memory_space<vmem>>, vector<16xf32>,
    %run_scoped3A = arith.constant 0 : i32
    %run_scoped3A_55 = arith.constant 0 : i32
    "tpu.region"() ({
      %run_scoped3A_181 = tpu.sem_alloc : memref<!tpu.dma_semaphore, #tpu.memory_space<semaphore_mem>>
      %dma_start3A_182 = arith.constant 0 : i32
      %dma_start3A_183 = tpu.memref_slice %arg7[%run_scoped3A_55, %dma_start3A_182] : memref<4x256xi32, #tpu.memory_space<vmem>> -> memref<1x256xi32, #tpu.memory_space<vmem>>
      %dma_start3A_184 = tpu.memref_squeeze %dma_start3A_183 : memref<1x256xi32, #tpu.memory_space<vmem>> -> memref<256xi32, #tpu.memory_space<vmem>>
      %dma_start3A_185 = tpu.memref_slice %arg3[%select_n3A, %run_scoped3A, %sub3A_21] : memref<4x4x2048xi32, #tpu.memory_space<hbm>> -> memref<1x1x256xi32, #tpu.memory_space<hbm>>
      %dma_start3A_186 = tpu.memref_squeeze %dma_start3A_185 : memref<1x1x256xi32, #tpu.memory_space<hbm>> -> memref<256xi32, #tpu.memory_space<hbm>>
      %dma_start3A_187 = arith.constant 0 : i32
      %dma_start3A_188 = tpu.memref_slice %arg7[%run_scoped3A_55, %dma_start3A_187] : memref<4x256xi32, #tpu.memory_space<vmem>> -> memref<1x256xi32, #tpu.memory_space<vmem>>
      %dma_start3A_189 = tpu.memref_squeeze %dma_start3A_188 : memref<1x256xi32, #tpu.memory_space<vmem>> -> memref<256xi32, #tpu.memory_space<vmem>>
      %dma_start3A_190 = tpu.memref_slice %arg3[%select_n3A, %run_scoped3A, %sub3A_21] : memref<4x4x2048xi32, #tpu.memory_space<hbm>> -> memref<1x1x256xi32, #tpu.memory_space<hbm>>
      %dma_start3A_191 = tpu.memref_squeeze %dma_start3A_190 : memref<1x1x256xi32, #tpu.memory_space<hbm>> -> memref<256xi32, #tpu.memory_space<hbm>>
      tpu.enqueue_dma source(%dma_start3A_191 : memref<256xi32, #tpu.memory_space<hbm>>) target(%dma_start3A_189 : memref<256xi32, #tpu.memory_space<vmem>>) target_semaphore(%run_scoped3A_181 : memref<!tpu.dma_semaphore, #tpu.memory_space<semaphore_mem>>)
      %dma_wait3A = arith.constant 0 : i32
      %dma_wait3A_192 = tpu.memref_slice %arg7[%run_scoped3A_55, %dma_wait3A] : memref<4x256xi32, #tpu.memory_space<vmem>> -> memref<1x256xi32, #tpu.memory_space<vmem>>
      %dma_wait3A_193 = tpu.memref_squeeze %dma_wait3A_192 : memref<1x256xi32, #tpu.memory_space<vmem>> -> memref<256xi32, #tpu.memory_space<vmem>>
      %dma_wait3A_194 = tpu.memref_slice %arg3[%select_n3A, %run_scoped3A, %sub3A_21] : memref<4x4x2048xi32, #tpu.memory_space<hbm>> -> memref<1x1x256xi32, #tpu.memory_space<hbm>>
      %dma_wait3A_195 = tpu.memref_squeeze %dma_wait3A_194 : memref<1x1x256xi32, #tpu.memory_space<hbm>> -> memref<256xi32, #tpu.memory_space<hbm>>
      %dma_wait3A_196 = arith.constant 0 : i32
      %dma_wait3A_197 = tpu.memref_slice %arg7[%run_scoped3A_55, %dma_wait3A_196] : memref<4x256xi32, #tpu.memory_space<vmem>> -> memref<1x256xi32, #tpu.memory_space<vmem>>
      %dma_wait3A_198 = tpu.memref_squeeze %dma_wait3A_197 : memref<1x256xi32, #tpu.memory_space<vmem>> -> memref<256xi32, #tpu.memory_space<vmem>>
      %dma_wait3A_199 = tpu.memref_slice %arg3[%select_n3A, %run_scoped3A, %sub3A_21] : memref<4x4x2048xi32, #tpu.memory_space<hbm>> -> memref<1x1x256xi32, #tpu.memory_space<hbm>>
      %dma_wait3A_200 = tpu.memref_squeeze %dma_wait3A_199 : memref<1x1x256xi32, #tpu.memory_space<hbm>> -> memref<256xi32, #tpu.memory_space<hbm>>
      tpu.wait_dma2 semaphore(%run_scoped3A_181 : memref<!tpu.dma_semaphore, #tpu.memory_space<semaphore_mem>>) src(%dma_wait3A_200 : memref<256xi32, #tpu.memory_space<hbm>>) dst(%dma_wait3A_198 : memref<256xi32, #tpu.memory_space<vmem>>)
      tpu.yield
    }) : () -> ()
    %run_scoped3A_56 = arith.constant 1 : i32
    %run_scoped3A_57 = arith.constant 1 : i32
    "tpu.region"() ({
      %run_scoped3A_181 = tpu.sem_alloc : memref<!tpu.dma_semaphore, #tpu.memory_space<semaphore_mem>>
      %dma_start3A_182 = arith.constant 0 : i32
      %dma_start3A_183 = tpu.memref_slice %arg7[%run_scoped3A_57, %dma_start3A_182] : memref<4x256xi32, #tpu.memory_space<vmem>> -> memref<1x256xi32, #tpu.memory_space<vmem>>
      %dma_start3A_184 = tpu.memref_squeeze %dma_start3A_183 : memref<1x256xi32, #tpu.memory_space<vmem>> -> memref<256xi32, #tpu.memory_space<vmem>>
      %dma_start3A_185 = tpu.memref_slice %arg3[%select_n3A, %run_scoped3A_56, %sub3A_21] : memref<4x4x2048xi32, #tpu.memory_space<hbm>> -> memref<1x1x256xi32, #tpu.memory_space<hbm>>
      %dma_start3A_186 = tpu.memref_squeeze %dma_start3A_185 : memref<1x1x256xi32, #tpu.memory_space<hbm>> -> memref<256xi32, #tpu.memory_space<hbm>>
      %dma_start3A_187 = arith.constant 0 : i32
      %dma_start3A_188 = tpu.memref_slice %arg7[%run_scoped3A_57, %dma_start3A_187] : memref<4x256xi32, #tpu.memory_space<vmem>> -> memref<1x256xi32, #tpu.memory_space<vmem>>
      %dma_start3A_189 = tpu.memref_squeeze %dma_start3A_188 : memref<1x256xi32, #tpu.memory_space<vmem>> -> memref<256xi32, #tpu.memory_space<vmem>>
      %dma_start3A_190 = tpu.memref_slice %arg3[%select_n3A, %run_scoped3A_56, %sub3A_21] : memref<4x4x2048xi32, #tpu.memory_space<hbm>> -> memref<1x1x256xi32, #tpu.memory_space<hbm>>
      %dma_start3A_191 = tpu.memref_squeeze %dma_start3A_190 : memref<1x1x256xi32, #tpu.memory_space<hbm>> -> memref<256xi32, #tpu.memory_space<hbm>>
      tpu.enqueue_dma source(%dma_start3A_191 : memref<256xi32, #tpu.memory_space<hbm>>) target(%dma_start3A_189 : memref<256xi32, #tpu.memory_space<vmem>>) target_semaphore(%run_scoped3A_181 : memref<!tpu.dma_semaphore, #tpu.memory_space<semaphore_mem>>)
      %dma_wait3A = arith.constant 0 : i32
      %dma_wait3A_192 = tpu.memref_slice %arg7[%run_scoped3A_57, %dma_wait3A] : memref<4x256xi32, #tpu.memory_space<vmem>> -> memref<1x256xi32, #tpu.memory_space<vmem>>
      %dma_wait3A_193 = tpu.memref_squeeze %dma_wait3A_192 : memref<1x256xi32, #tpu.memory_space<vmem>> -> memref<256xi32, #tpu.memory_space<vmem>>
      %dma_wait3A_194 = tpu.memref_slice %arg3[%select_n3A, %run_scoped3A_56, %sub3A_21] : memref<4x4x2048xi32, #tpu.memory_space<hbm>> -> memref<1x1x256xi32, #tpu.memory_space<hbm>>
      %dma_wait3A_195 = tpu.memref_squeeze %dma_wait3A_194 : memref<1x1x256xi32, #tpu.memory_space<hbm>> -> memref<256xi32, #tpu.memory_space<hbm>>
      %dma_wait3A_196 = arith.constant 0 : i32
      %dma_wait3A_197 = tpu.memref_slice %arg7[%run_scoped3A_57, %dma_wait3A_196] : memref<4x256xi32, #tpu.memory_space<vmem>> -> memref<1x256xi32, #tpu.memory_space<vmem>>
      %dma_wait3A_198 = tpu.memref_squeeze %dma_wait3A_197 : memref<1x256xi32, #tpu.memory_space<vmem>> -> memref<256xi32, #tpu.memory_space<vmem>>
      %dma_wait3A_199 = tpu.memref_slice %arg3[%select_n3A, %run_scoped3A_56, %sub3A_21] : memref<4x4x2048xi32, #tpu.memory_space<hbm>> -> memref<1x1x256xi32, #tpu.memory_space<hbm>>
      %dma_wait3A_200 = tpu.memref_squeeze %dma_wait3A_199 : memref<1x1x256xi32, #tpu.memory_space<hbm>> -> memref<256xi32, #tpu.memory_space<hbm>>
      tpu.wait_dma2 semaphore(%run_scoped3A_181 : memref<!tpu.dma_semaphore, #tpu.memory_space<semaphore_mem>>) src(%dma_wait3A_200 : memref<256xi32, #tpu.memory_space<hbm>>) dst(%dma_wait3A_198 : memref<256xi32, #tpu.memory_space<vmem>>)
      tpu.yield
    }) : () -> ()
    %run_scoped3A_58 = arith.constant 2 : i32
    %run_scoped3A_59 = arith.constant 2 : i32
    "tpu.region"() ({
      %run_scoped3A_181 = tpu.sem_alloc : memref<!tpu.dma_semaphore, #tpu.memory_space<semaphore_mem>>
      %dma_start3A_182 = arith.constant 0 : i32
      %dma_start3A_183 = tpu.memref_slice %arg7[%run_scoped3A_59, %dma_start3A_182] : memref<4x256xi32, #tpu.memory_space<vmem>> -> memref<1x256xi32, #tpu.memory_space<vmem>>
      %dma_start3A_184 = tpu.memref_squeeze %dma_start3A_183 : memref<1x256xi32, #tpu.memory_space<vmem>> -> memref<256xi32, #tpu.memory_space<vmem>>
      %dma_start3A_185 = tpu.memref_slice %arg3[%select_n3A, %run_scoped3A_58, %sub3A_21] : memref<4x4x2048xi32, #tpu.memory_space<hbm>> -> memref<1x1x256xi32, #tpu.memory_space<hbm>>
      %dma_start3A_186 = tpu.memref_squeeze %dma_start3A_185 : memref<1x1x256xi32, #tpu.memory_space<hbm>> -> memref<256xi32, #tpu.memory_space<hbm>>
      %dma_start3A_187 = arith.constant 0 : i32
      %dma_start3A_188 = tpu.memref_slice %arg7[%run_scoped3A_59, %dma_start3A_187] : memref<4x256xi32, #tpu.memory_space<vmem>> -> memref<1x256xi32, #tpu.memory_space<vmem>>
      %dma_start3A_189 = tpu.memref_squeeze %dma_start3A_188 : memref<1x256xi32, #tpu.memory_space<vmem>> -> memref<256xi32, #tpu.memory_space<vmem>>
      %dma_start3A_190 = tpu.memref_slice %arg3[%select_n3A, %run_scoped3A_58, %sub3A_21] : memref<4x4x2048xi32, #tpu.memory_space<hbm>> -> memref<1x1x256xi32, #tpu.memory_space<hbm>>
      %dma_start3A_191 = tpu.memref_squeeze %dma_start3A_190 : memref<1x1x256xi32, #tpu.memory_space<hbm>> -> memref<256xi32, #tpu.memory_space<hbm>>
      tpu.enqueue_dma source(%dma_start3A_191 : memref<256xi32, #tpu.memory_space<hbm>>) target(%dma_start3A_189 : memref<256xi32, #tpu.memory_space<vmem>>) target_semaphore(%run_scoped3A_181 : memref<!tpu.dma_semaphore, #tpu.memory_space<semaphore_mem>>)
      %dma_wait3A = arith.constant 0 : i32
      %dma_wait3A_192 = tpu.memref_slice %arg7[%run_scoped3A_59, %dma_wait3A] : memref<4x256xi32, #tpu.memory_space<vmem>> -> memref<1x256xi32, #tpu.memory_space<vmem>>
      %dma_wait3A_193 = tpu.memref_squeeze %dma_wait3A_192 : memref<1x256xi32, #tpu.memory_space<vmem>> -> memref<256xi32, #tpu.memory_space<vmem>>
      %dma_wait3A_194 = tpu.memref_slice %arg3[%select_n3A, %run_scoped3A_58, %sub3A_21] : memref<4x4x2048xi32, #tpu.memory_space<hbm>> -> memref<1x1x256xi32, #tpu.memory_space<hbm>>
      %dma_wait3A_195 = tpu.memref_squeeze %dma_wait3A_194 : memref<1x1x256xi32, #tpu.memory_space<hbm>> -> memref<256xi32, #tpu.memory_space<hbm>>
      %dma_wait3A_196 = arith.constant 0 : i32
      %dma_wait3A_197 = tpu.memref_slice %arg7[%run_scoped3A_59, %dma_wait3A_196] : memref<4x256xi32, #tpu.memory_space<vmem>> -> memref<1x256xi32, #tpu.memory_space<vmem>>
      %dma_wait3A_198 = tpu.memref_squeeze %dma_wait3A_197 : memref<1x256xi32, #tpu.memory_space<vmem>> -> memref<256xi32, #tpu.memory_space<vmem>>
      %dma_wait3A_199 = tpu.memref_slice %arg3[%select_n3A, %run_scoped3A_58, %sub3A_21] : memref<4x4x2048xi32, #tpu.memory_space<hbm>> -> memref<1x1x256xi32, #tpu.memory_space<hbm>>
      %dma_wait3A_200 = tpu.memref_squeeze %dma_wait3A_199 : memref<1x1x256xi32, #tpu.memory_space<hbm>> -> memref<256xi32, #tpu.memory_space<hbm>>
      tpu.wait_dma2 semaphore(%run_scoped3A_181 : memref<!tpu.dma_semaphore, #tpu.memory_space<semaphore_mem>>) src(%dma_wait3A_200 : memref<256xi32, #tpu.memory_space<hbm>>) dst(%dma_wait3A_198 : memref<256xi32, #tpu.memory_space<vmem>>)
      tpu.yield
    }) : () -> ()
    %run_scoped3A_60 = arith.constant 3 : i32
    %run_scoped3A_61 = arith.constant 3 : i32
    "tpu.region"() ({
      %run_scoped3A_181 = tpu.sem_alloc : memref<!tpu.dma_semaphore, #tpu.memory_space<semaphore_mem>>
      %dma_start3A_182 = arith.constant 0 : i32
      %dma_start3A_183 = tpu.memref_slice %arg7[%run_scoped3A_61, %dma_start3A_182] : memref<4x256xi32, #tpu.memory_space<vmem>> -> memref<1x256xi32, #tpu.memory_space<vmem>>
      %dma_start3A_184 = tpu.memref_squeeze %dma_start3A_183 : memref<1x256xi32, #tpu.memory_space<vmem>> -> memref<256xi32, #tpu.memory_space<vmem>>
      %dma_start3A_185 = tpu.memref_slice %arg3[%select_n3A, %run_scoped3A_60, %sub3A_21] : memref<4x4x2048xi32, #tpu.memory_space<hbm>> -> memref<1x1x256xi32, #tpu.memory_space<hbm>>
      %dma_start3A_186 = tpu.memref_squeeze %dma_start3A_185 : memref<1x1x256xi32, #tpu.memory_space<hbm>> -> memref<256xi32, #tpu.memory_space<hbm>>
      %dma_start3A_187 = arith.constant 0 : i32
      %dma_start3A_188 = tpu.memref_slice %arg7[%run_scoped3A_61, %dma_start3A_187] : memref<4x256xi32, #tpu.memory_space<vmem>> -> memref<1x256xi32, #tpu.memory_space<vmem>>
      %dma_start3A_189 = tpu.memref_squeeze %dma_start3A_188 : memref<1x256xi32, #tpu.memory_space<vmem>> -> memref<256xi32, #tpu.memory_space<vmem>>
      %dma_start3A_190 = tpu.memref_slice %arg3[%select_n3A, %run_scoped3A_60, %sub3A_21] : memref<4x4x2048xi32, #tpu.memory_space<hbm>> -> memref<1x1x256xi32, #tpu.memory_space<hbm>>
      %dma_start3A_191 = tpu.memref_squeeze %dma_start3A_190 : memref<1x1x256xi32, #tpu.memory_space<hbm>> -> memref<256xi32, #tpu.memory_space<hbm>>
      tpu.enqueue_dma source(%dma_start3A_191 : memref<256xi32, #tpu.memory_space<hbm>>) target(%dma_start3A_189 : memref<256xi32, #tpu.memory_space<vmem>>) target_semaphore(%run_scoped3A_181 : memref<!tpu.dma_semaphore, #tpu.memory_space<semaphore_mem>>)
      %dma_wait3A = arith.constant 0 : i32
      %dma_wait3A_192 = tpu.memref_slice %arg7[%run_scoped3A_61, %dma_wait3A] : memref<4x256xi32, #tpu.memory_space<vmem>> -> memref<1x256xi32, #tpu.memory_space<vmem>>
      %dma_wait3A_193 = tpu.memref_squeeze %dma_wait3A_192 : memref<1x256xi32, #tpu.memory_space<vmem>> -> memref<256xi32, #tpu.memory_space<vmem>>
      %dma_wait3A_194 = tpu.memref_slice %arg3[%select_n3A, %run_scoped3A_60, %sub3A_21] : memref<4x4x2048xi32, #tpu.memory_space<hbm>> -> memref<1x1x256xi32, #tpu.memory_space<hbm>>
      %dma_wait3A_195 = tpu.memref_squeeze %dma_wait3A_194 : memref<1x1x256xi32, #tpu.memory_space<hbm>> -> memref<256xi32, #tpu.memory_space<hbm>>
      %dma_wait3A_196 = arith.constant 0 : i32
      %dma_wait3A_197 = tpu.memref_slice %arg7[%run_scoped3A_61, %dma_wait3A_196] : memref<4x256xi32, #tpu.memory_space<vmem>> -> memref<1x256xi32, #tpu.memory_space<vmem>>
      %dma_wait3A_198 = tpu.memref_squeeze %dma_wait3A_197 : memref<1x256xi32, #tpu.memory_space<vmem>> -> memref<256xi32, #tpu.memory_space<vmem>>
      %dma_wait3A_199 = tpu.memref_slice %arg3[%select_n3A, %run_scoped3A_60, %sub3A_21] : memref<4x4x2048xi32, #tpu.memory_space<hbm>> -> memref<1x1x256xi32, #tpu.memory_space<hbm>>
      %dma_wait3A_200 = tpu.memref_squeeze %dma_wait3A_199 : memref<1x1x256xi32, #tpu.memory_space<hbm>> -> memref<256xi32, #tpu.memory_space<hbm>>
      tpu.wait_dma2 semaphore(%run_scoped3A_181 : memref<!tpu.dma_semaphore, #tpu.memory_space<semaphore_mem>>) src(%dma_wait3A_200 : memref<256xi32, #tpu.memory_space<hbm>>) dst(%dma_wait3A_198 : memref<256xi32, #tpu.memory_space<vmem>>)
      tpu.yield
    }) : () -> ()
    %broadcast_in_dim3A = arith.constant 0 : i32
    %broadcast_in_dim3A_62 = vector.broadcast %broadcast_in_dim3A : i32 to vector<16xi32>
    %mul3A_63 = arith.constant 2048 : i32
    %mul3A_64 = arith.muli %select_n3A, %mul3A_63 : i32
    %add3A_65 = vector.broadcast %mul3A_64 : i32 to vector<16xi32>
    %add3A_66 = arith.addi %broadcast_in_dim3A_62, %add3A_65 : vector<16xi32>
    %scan3A = arith.constant 0 : i32
    %scan3A_67 = arith.constant 0 : i32
    %scan3A_68 = arith.constant 16 : i32
    %scan3A_69 = arith.addi %scan3A_67, %scan3A_68 : i32
    %scan3A_70 = arith.constant 1 : i32
    scf.for %scan3A_181 = %scan3A_67 to %scan3A_69 step %scan3A_70  : i32 {
      %mul3A_182 = arith.constant 16 : i32
      %mul3A_183 = arith.muli %scan3A_181, %mul3A_182 : i32
      %get3A_184 = arith.constant 0 : i32
      %get3A_185 = arith.index_cast %get3A_184 : i32 to index
      %get3A_186 = arith.index_cast %mul3A_183 : i32 to index
      %get3A_187 = tpu.vector_load %arg7[%get3A_185, %get3A_186] {strides = array<i32>} : memref<4x256xi32, #tpu.memory_space<vmem>>, vector<16xi32>,
      %add3A_188 = arith.addi %get3A_187, %add3A_66 : vector<16xi32>
      %swap3A = arith.constant 0 : i32
      %swap3A_189 = arith.index_cast %swap3A : i32 to index
      %swap3A_190 = arith.index_cast %mul3A_183 : i32 to index
      %swap3A_191 = tpu.vector_load %arg7[%swap3A_189, %swap3A_190] {strides = array<i32>} : memref<4x256xi32, #tpu.memory_space<vmem>>, vector<16xi32>,
      tpu.vector_store %arg7[%swap3A_189, %swap3A_190], %add3A_188 {strides = array<i32>} : memref<4x256xi32, #tpu.memory_space<vmem>>, vector<16xi32>,
      %mul3A_192 = arith.constant 16 : i32
      %mul3A_193 = arith.muli %scan3A_181, %mul3A_192 : i32
      %get3A_194 = arith.constant 1 : i32
      %get3A_195 = arith.index_cast %get3A_194 : i32 to index
      %get3A_196 = arith.index_cast %mul3A_193 : i32 to index
      %get3A_197 = tpu.vector_load %arg7[%get3A_195, %get3A_196] {strides = array<i32>} : memref<4x256xi32, #tpu.memory_space<vmem>>, vector<16xi32>,
      %add3A_198 = arith.addi %get3A_197, %add3A_66 : vector<16xi32>
      %swap3A_199 = arith.constant 1 : i32
      %swap3A_200 = arith.index_cast %swap3A_199 : i32 to index
      %swap3A_201 = arith.index_cast %mul3A_193 : i32 to index
      %swap3A_202 = tpu.vector_load %arg7[%swap3A_200, %swap3A_201] {strides = array<i32>} : memref<4x256xi32, #tpu.memory_space<vmem>>, vector<16xi32>,
      tpu.vector_store %arg7[%swap3A_200, %swap3A_201], %add3A_198 {strides = array<i32>} : memref<4x256xi32, #tpu.memory_space<vmem>>, vector<16xi32>,
      %mul3A_203 = arith.constant 16 : i32
      %mul3A_204 = arith.muli %scan3A_181, %mul3A_203 : i32
      %get3A_205 = arith.constant 2 : i32
      %get3A_206 = arith.index_cast %get3A_205 : i32 to index
      %get3A_207 = arith.index_cast %mul3A_204 : i32 to index
      %get3A_208 = tpu.vector_load %arg7[%get3A_206, %get3A_207] {strides = array<i32>} : memref<4x256xi32, #tpu.memory_space<vmem>>, vector<16xi32>,
      %add3A_209 = arith.addi %get3A_208, %add3A_66 : vector<16xi32>
      %swap3A_210 = arith.constant 2 : i32
      %swap3A_211 = arith.index_cast %swap3A_210 : i32 to index
      %swap3A_212 = arith.index_cast %mul3A_204 : i32 to index
      %swap3A_213 = tpu.vector_load %arg7[%swap3A_211, %swap3A_212] {strides = array<i32>} : memref<4x256xi32, #tpu.memory_space<vmem>>, vector<16xi32>,
      tpu.vector_store %arg7[%swap3A_211, %swap3A_212], %add3A_209 {strides = array<i32>} : memref<4x256xi32, #tpu.memory_space<vmem>>, vector<16xi32>,
      %mul3A_214 = arith.constant 16 : i32
      %mul3A_215 = arith.muli %scan3A_181, %mul3A_214 : i32
      %get3A_216 = arith.constant 3 : i32
      %get3A_217 = arith.index_cast %get3A_216 : i32 to index
      %get3A_218 = arith.index_cast %mul3A_215 : i32 to index
      %get3A_219 = tpu.vector_load %arg7[%get3A_217, %get3A_218] {strides = array<i32>} : memref<4x256xi32, #tpu.memory_space<vmem>>, vector<16xi32>,
      %add3A_220 = arith.addi %get3A_219, %add3A_66 : vector<16xi32>
      %swap3A_221 = arith.constant 3 : i32
      %swap3A_222 = arith.index_cast %swap3A_221 : i32 to index
      %swap3A_223 = arith.index_cast %mul3A_215 : i32 to index
      %swap3A_224 = tpu.vector_load %arg7[%swap3A_222, %swap3A_223] {strides = array<i32>} : memref<4x256xi32, #tpu.memory_space<vmem>>, vector<16xi32>,
      tpu.vector_store %arg7[%swap3A_222, %swap3A_223], %add3A_220 {strides = array<i32>} : memref<4x256xi32, #tpu.memory_space<vmem>>, vector<16xi32>,
    }
    %scan3A_71 = arith.constant 16 : i32
    %dma_start3A = arith.constant 0 : i32
    %dma_start3A_72 = arith.constant 0 : i32
    %dma_start3A_73 = arith.constant 0 : i32
    %dma_start3A_74 = arith.constant 0 : i32
    %dma_start3A_75 = arith.constant 0 : i32
    %dma_start3A_76 = tpu.memref_slice %arg6[%dma_start3A_72, %dma_start3A_73, %dma_start3A_74, %dma_start3A_75] : memref<2x4x64x128xi32, #tpu.memory_space<vmem>> -> memref<1x1x64x128xi32, #tpu.memory_space<vmem>>
    %dma_start3A_77 = tpu.memref_squeeze %dma_start3A_76 : memref<1x1x64x128xi32, #tpu.memory_space<vmem>> -> memref<64x128xi32, #tpu.memory_space<vmem>>
    %dma_start3A_78 = arith.constant 0 : i32
    %dma_start3A_79 = tpu.memref_slice %arg7[%dma_start3A, %dma_start3A_78] : memref<4x256xi32, #tpu.memory_space<vmem>> -> memref<1x64xi32, #tpu.memory_space<vmem>>
    %dma_start3A_80 = tpu.memref_squeeze %dma_start3A_79 : memref<1x64xi32, #tpu.memory_space<vmem>> -> memref<64xi32, #tpu.memory_space<vmem>>
    %dma_start3A_81 = arith.constant 0 : i32
    %dma_start3A_82 = arith.constant 0 : i32
    %dma_start3A_83 = tpu.memref_slice %arg2[%dma_start3A_81, %dma_start3A_82] : memref<8192x128xi32, #tpu.memory_space<hbm>> -> memref<8192x128xi32, #tpu.memory_space<hbm>>
    tpu.enqueue_indirect_dma source(%dma_start3A_83 : memref<8192x128xi32, #tpu.memory_space<hbm>>) target(%dma_start3A_77 : memref<64x128xi32, #tpu.memory_space<vmem>>) offsets(%dma_start3A_80 : memref<64xi32, #tpu.memory_space<vmem>>) semaphore(%arg10 : memref<!tpu.dma_semaphore, #tpu.memory_space<semaphore_mem>>)
    %dma_start3A_84 = arith.constant 1 : i32
    %dma_start3A_85 = arith.constant 0 : i32
    %dma_start3A_86 = arith.constant 1 : i32
    %dma_start3A_87 = arith.constant 0 : i32
    %dma_start3A_88 = arith.constant 0 : i32
    %dma_start3A_89 = tpu.memref_slice %arg6[%dma_start3A_85, %dma_start3A_86, %dma_start3A_87, %dma_start3A_88] : memref<2x4x64x128xi32, #tpu.memory_space<vmem>> -> memref<1x1x64x128xi32, #tpu.memory_space<vmem>>
    %dma_start3A_90 = tpu.memref_squeeze %dma_start3A_89 : memref<1x1x64x128xi32, #tpu.memory_space<vmem>> -> memref<64x128xi32, #tpu.memory_space<vmem>>
    %dma_start3A_91 = arith.constant 0 : i32
    %dma_start3A_92 = tpu.memref_slice %arg7[%dma_start3A_84, %dma_start3A_91] : memref<4x256xi32, #tpu.memory_space<vmem>> -> memref<1x64xi32, #tpu.memory_space<vmem>>
    %dma_start3A_93 = tpu.memref_squeeze %dma_start3A_92 : memref<1x64xi32, #tpu.memory_space<vmem>> -> memref<64xi32, #tpu.memory_space<vmem>>
    %dma_start3A_94 = arith.constant 0 : i32
    %dma_start3A_95 = arith.constant 0 : i32
    %dma_start3A_96 = tpu.memref_slice %arg2[%dma_start3A_94, %dma_start3A_95] : memref<8192x128xi32, #tpu.memory_space<hbm>> -> memref<8192x128xi32, #tpu.memory_space<hbm>>
    tpu.enqueue_indirect_dma source(%dma_start3A_96 : memref<8192x128xi32, #tpu.memory_space<hbm>>) target(%dma_start3A_90 : memref<64x128xi32, #tpu.memory_space<vmem>>) offsets(%dma_start3A_93 : memref<64xi32, #tpu.memory_space<vmem>>) semaphore(%arg10 : memref<!tpu.dma_semaphore, #tpu.memory_space<semaphore_mem>>)
    %dma_start3A_97 = arith.constant 2 : i32
    %dma_start3A_98 = arith.constant 0 : i32
    %dma_start3A_99 = arith.constant 2 : i32
    %dma_start3A_100 = arith.constant 0 : i32
    %dma_start3A_101 = arith.constant 0 : i32
    %dma_start3A_102 = tpu.memref_slice %arg6[%dma_start3A_98, %dma_start3A_99, %dma_start3A_100, %dma_start3A_101] : memref<2x4x64x128xi32, #tpu.memory_space<vmem>> -> memref<1x1x64x128xi32, #tpu.memory_space<vmem>>
    %dma_start3A_103 = tpu.memref_squeeze %dma_start3A_102 : memref<1x1x64x128xi32, #tpu.memory_space<vmem>> -> memref<64x128xi32, #tpu.memory_space<vmem>>
    %dma_start3A_104 = arith.constant 0 : i32
    %dma_start3A_105 = tpu.memref_slice %arg7[%dma_start3A_97, %dma_start3A_104] : memref<4x256xi32, #tpu.memory_space<vmem>> -> memref<1x64xi32, #tpu.memory_space<vmem>>
    %dma_start3A_106 = tpu.memref_squeeze %dma_start3A_105 : memref<1x64xi32, #tpu.memory_space<vmem>> -> memref<64xi32, #tpu.memory_space<vmem>>
    %dma_start3A_107 = arith.constant 0 : i32
    %dma_start3A_108 = arith.constant 0 : i32
    %dma_start3A_109 = tpu.memref_slice %arg2[%dma_start3A_107, %dma_start3A_108] : memref<8192x128xi32, #tpu.memory_space<hbm>> -> memref<8192x128xi32, #tpu.memory_space<hbm>>
    tpu.enqueue_indirect_dma source(%dma_start3A_109 : memref<8192x128xi32, #tpu.memory_space<hbm>>) target(%dma_start3A_103 : memref<64x128xi32, #tpu.memory_space<vmem>>) offsets(%dma_start3A_106 : memref<64xi32, #tpu.memory_space<vmem>>) semaphore(%arg10 : memref<!tpu.dma_semaphore, #tpu.memory_space<semaphore_mem>>)
    %dma_start3A_110 = arith.constant 3 : i32
    %dma_start3A_111 = arith.constant 0 : i32
    %dma_start3A_112 = arith.constant 3 : i32
    %dma_start3A_113 = arith.constant 0 : i32
    %dma_start3A_114 = arith.constant 0 : i32
    %dma_start3A_115 = tpu.memref_slice %arg6[%dma_start3A_111, %dma_start3A_112, %dma_start3A_113, %dma_start3A_114] : memref<2x4x64x128xi32, #tpu.memory_space<vmem>> -> memref<1x1x64x128xi32, #tpu.memory_space<vmem>>
    %dma_start3A_116 = tpu.memref_squeeze %dma_start3A_115 : memref<1x1x64x128xi32, #tpu.memory_space<vmem>> -> memref<64x128xi32, #tpu.memory_space<vmem>>
    %dma_start3A_117 = arith.constant 0 : i32
    %dma_start3A_118 = tpu.memref_slice %arg7[%dma_start3A_110, %dma_start3A_117] : memref<4x256xi32, #tpu.memory_space<vmem>> -> memref<1x64xi32, #tpu.memory_space<vmem>>
    %dma_start3A_119 = tpu.memref_squeeze %dma_start3A_118 : memref<1x64xi32, #tpu.memory_space<vmem>> -> memref<64xi32, #tpu.memory_space<vmem>>
    %dma_start3A_120 = arith.constant 0 : i32
    %dma_start3A_121 = arith.constant 0 : i32
    %dma_start3A_122 = tpu.memref_slice %arg2[%dma_start3A_120, %dma_start3A_121] : memref<8192x128xi32, #tpu.memory_space<hbm>> -> memref<8192x128xi32, #tpu.memory_space<hbm>>
    tpu.enqueue_indirect_dma source(%dma_start3A_122 : memref<8192x128xi32, #tpu.memory_space<hbm>>) target(%dma_start3A_116 : memref<64x128xi32, #tpu.memory_space<vmem>>) offsets(%dma_start3A_119 : memref<64xi32, #tpu.memory_space<vmem>>) semaphore(%arg10 : memref<!tpu.dma_semaphore, #tpu.memory_space<semaphore_mem>>)
    %dma_start3A_123 = arith.constant 0 : i32
    %dma_start3A_124 = arith.constant 1 : i32
    %dma_start3A_125 = arith.constant 0 : i32
    %dma_start3A_126 = arith.constant 0 : i32
    %dma_start3A_127 = arith.constant 0 : i32
    %dma_start3A_128 = tpu.memref_slice %arg6[%dma_start3A_124, %dma_start3A_125, %dma_start3A_126, %dma_start3A_127] : memref<2x4x64x128xi32, #tpu.memory_space<vmem>> -> memref<1x1x64x128xi32, #tpu.memory_space<vmem>>
    %dma_start3A_129 = tpu.memref_squeeze %dma_start3A_128 : memref<1x1x64x128xi32, #tpu.memory_space<vmem>> -> memref<64x128xi32, #tpu.memory_space<vmem>>
    %dma_start3A_130 = arith.constant 64 : i32
    %dma_start3A_131 = tpu.memref_slice %arg7[%dma_start3A_123, %dma_start3A_130] : memref<4x256xi32, #tpu.memory_space<vmem>> -> memref<1x64xi32, #tpu.memory_space<vmem>>
    %dma_start3A_132 = tpu.memref_squeeze %dma_start3A_131 : memref<1x64xi32, #tpu.memory_space<vmem>> -> memref<64xi32, #tpu.memory_space<vmem>>
    %dma_start3A_133 = arith.constant 0 : i32
    %dma_start3A_134 = arith.constant 0 : i32
    %dma_start3A_135 = tpu.memref_slice %arg2[%dma_start3A_133, %dma_start3A_134] : memref<8192x128xi32, #tpu.memory_space<hbm>> -> memref<8192x128xi32, #tpu.memory_space<hbm>>
    tpu.enqueue_indirect_dma source(%dma_start3A_135 : memref<8192x128xi32, #tpu.memory_space<hbm>>) target(%dma_start3A_129 : memref<64x128xi32, #tpu.memory_space<vmem>>) offsets(%dma_start3A_132 : memref<64xi32, #tpu.memory_space<vmem>>) semaphore(%arg11 : memref<!tpu.dma_semaphore, #tpu.memory_space<semaphore_mem>>)
    %dma_start3A_136 = arith.constant 1 : i32
    %dma_start3A_137 = arith.constant 1 : i32
    %dma_start3A_138 = arith.constant 1 : i32
    %dma_start3A_139 = arith.constant 0 : i32
    %dma_start3A_140 = arith.constant 0 : i32
    %dma_start3A_141 = tpu.memref_slice %arg6[%dma_start3A_137, %dma_start3A_138, %dma_start3A_139, %dma_start3A_140] : memref<2x4x64x128xi32, #tpu.memory_space<vmem>> -> memref<1x1x64x128xi32, #tpu.memory_space<vmem>>
    %dma_start3A_142 = tpu.memref_squeeze %dma_start3A_141 : memref<1x1x64x128xi32, #tpu.memory_space<vmem>> -> memref<64x128xi32, #tpu.memory_space<vmem>>
    %dma_start3A_143 = arith.constant 64 : i32
    %dma_start3A_144 = tpu.memref_slice %arg7[%dma_start3A_136, %dma_start3A_143] : memref<4x256xi32, #tpu.memory_space<vmem>> -> memref<1x64xi32, #tpu.memory_space<vmem>>
    %dma_start3A_145 = tpu.memref_squeeze %dma_start3A_144 : memref<1x64xi32, #tpu.memory_space<vmem>> -> memref<64xi32, #tpu.memory_space<vmem>>
    %dma_start3A_146 = arith.constant 0 : i32
    %dma_start3A_147 = arith.constant 0 : i32
    %dma_start3A_148 = tpu.memref_slice %arg2[%dma_start3A_146, %dma_start3A_147] : memref<8192x128xi32, #tpu.memory_space<hbm>> -> memref<8192x128xi32, #tpu.memory_space<hbm>>
    tpu.enqueue_indirect_dma source(%dma_start3A_148 : memref<8192x128xi32, #tpu.memory_space<hbm>>) target(%dma_start3A_142 : memref<64x128xi32, #tpu.memory_space<vmem>>) offsets(%dma_start3A_145 : memref<64xi32, #tpu.memory_space<vmem>>) semaphore(%arg11 : memref<!tpu.dma_semaphore, #tpu.memory_space<semaphore_mem>>)
    %dma_start3A_149 = arith.constant 2 : i32
    %dma_start3A_150 = arith.constant 1 : i32
    %dma_start3A_151 = arith.constant 2 : i32
    %dma_start3A_152 = arith.constant 0 : i32
    %dma_start3A_153 = arith.constant 0 : i32
    %dma_start3A_154 = tpu.memref_slice %arg6[%dma_start3A_150, %dma_start3A_151, %dma_start3A_152, %dma_start3A_153] : memref<2x4x64x128xi32, #tpu.memory_space<vmem>> -> memref<1x1x64x128xi32, #tpu.memory_space<vmem>>
    %dma_start3A_155 = tpu.memref_squeeze %dma_start3A_154 : memref<1x1x64x128xi32, #tpu.memory_space<vmem>> -> memref<64x128xi32, #tpu.memory_space<vmem>>
    %dma_start3A_156 = arith.constant 64 : i32
    %dma_start3A_157 = tpu.memref_slice %arg7[%dma_start3A_149, %dma_start3A_156] : memref<4x256xi32, #tpu.memory_space<vmem>> -> memref<1x64xi32, #tpu.memory_space<vmem>>
    %dma_start3A_158 = tpu.memref_squeeze %dma_start3A_157 : memref<1x64xi32, #tpu.memory_space<vmem>> -> memref<64xi32, #tpu.memory_space<vmem>>
    %dma_start3A_159 = arith.constant 0 : i32
    %dma_start3A_160 = arith.constant 0 : i32
    %dma_start3A_161 = tpu.memref_slice %arg2[%dma_start3A_159, %dma_start3A_160] : memref<8192x128xi32, #tpu.memory_space<hbm>> -> memref<8192x128xi32, #tpu.memory_space<hbm>>
    tpu.enqueue_indirect_dma source(%dma_start3A_161 : memref<8192x128xi32, #tpu.memory_space<hbm>>) target(%dma_start3A_155 : memref<64x128xi32, #tpu.memory_space<vmem>>) offsets(%dma_start3A_158 : memref<64xi32, #tpu.memory_space<vmem>>) semaphore(%arg11 : memref<!tpu.dma_semaphore, #tpu.memory_space<semaphore_mem>>)
    %dma_start3A_162 = arith.constant 3 : i32
    %dma_start3A_163 = arith.constant 1 : i32
    %dma_start3A_164 = arith.constant 3 : i32
    %dma_start3A_165 = arith.constant 0 : i32
    %dma_start3A_166 = arith.constant 0 : i32
    %dma_start3A_167 = tpu.memref_slice %arg6[%dma_start3A_163, %dma_start3A_164, %dma_start3A_165, %dma_start3A_166] : memref<2x4x64x128xi32, #tpu.memory_space<vmem>> -> memref<1x1x64x128xi32, #tpu.memory_space<vmem>>
    %dma_start3A_168 = tpu.memref_squeeze %dma_start3A_167 : memref<1x1x64x128xi32, #tpu.memory_space<vmem>> -> memref<64x128xi32, #tpu.memory_space<vmem>>
    %dma_start3A_169 = arith.constant 64 : i32
    %dma_start3A_170 = tpu.memref_slice %arg7[%dma_start3A_162, %dma_start3A_169] : memref<4x256xi32, #tpu.memory_space<vmem>> -> memref<1x64xi32, #tpu.memory_space<vmem>>
    %dma_start3A_171 = tpu.memref_squeeze %dma_start3A_170 : memref<1x64xi32, #tpu.memory_space<vmem>> -> memref<64xi32, #tpu.memory_space<vmem>>
    %dma_start3A_172 = arith.constant 0 : i32
    %dma_start3A_173 = arith.constant 0 : i32
    %dma_start3A_174 = tpu.memref_slice %arg2[%dma_start3A_172, %dma_start3A_173] : memref<8192x128xi32, #tpu.memory_space<hbm>> -> memref<8192x128xi32, #tpu.memory_space<hbm>>
    tpu.enqueue_indirect_dma source(%dma_start3A_174 : memref<8192x128xi32, #tpu.memory_space<hbm>>) target(%dma_start3A_168 : memref<64x128xi32, #tpu.memory_space<vmem>>) offsets(%dma_start3A_171 : memref<64xi32, #tpu.memory_space<vmem>>) semaphore(%arg11 : memref<!tpu.dma_semaphore, #tpu.memory_space<semaphore_mem>>)
    %iota3A = tpu.iota {dimensions = array<i32: 0>} : vector<16xi32>
    %scan3A_175 = arith.constant 0 : i32
    %scan3A_176 = arith.constant 0 : i32
    %scan3A_177 = arith.constant 2 : i32
    %scan3A_178 = arith.addi %scan3A_176, %scan3A_177 : i32
    %scan3A_179 = arith.constant 1 : i32
    scf.for %scan3A_181 = %scan3A_176 to %scan3A_178 step %scan3A_179  : i32 {
      %mul3A_182 = arith.constant 2 : i32
      %mul3A_183 = arith.muli %scan3A_181, %mul3A_182 : i32
      %add3A_184 = arith.constant 0 : i32
      %add3A_185 = arith.addi %mul3A_183, %add3A_184 : i32
      %mul3A_186 = arith.constant 64 : i32
      %mul3A_187 = arith.muli %add3A_185, %mul3A_186 : i32
      %dma_wait3A = arith.constant 0 : i32
      %dma_wait3A_188 = arith.constant 0 : i32
      %dma_wait3A_189 = arith.constant 0 : i32
      %dma_wait3A_190 = arith.constant 0 : i32
      %dma_wait3A_191 = arith.constant 0 : i32
      %dma_wait3A_192 = tpu.memref_slice %arg6[%dma_wait3A_188, %dma_wait3A_189, %dma_wait3A_190, %dma_wait3A_191] : memref<2x4x64x128xi32, #tpu.memory_space<vmem>> -> memref<1x1x64x128xi32, #tpu.memory_space<vmem>>
      %dma_wait3A_193 = tpu.memref_squeeze %dma_wait3A_192 : memref<1x1x64x128xi32, #tpu.memory_space<vmem>> -> memref<64x128xi32, #tpu.memory_space<vmem>>
      %dma_wait3A_194 = tpu.memref_slice %arg7[%dma_wait3A, %mul3A_187] : memref<4x256xi32, #tpu.memory_space<vmem>> -> memref<1x64xi32, #tpu.memory_space<vmem>>
      %dma_wait3A_195 = tpu.memref_squeeze %dma_wait3A_194 : memref<1x64xi32, #tpu.memory_space<vmem>> -> memref<64xi32, #tpu.memory_space<vmem>>
      %dma_wait3A_196 = arith.constant 0 : i32
      %dma_wait3A_197 = arith.constant 0 : i32
      %dma_wait3A_198 = tpu.memref_slice %arg2[%dma_wait3A_196, %dma_wait3A_197] : memref<8192x128xi32, #tpu.memory_space<hbm>> -> memref<8192x128xi32, #tpu.memory_space<hbm>>
      tpu.wait_indirect_dma semaphore(%arg10 : memref<!tpu.dma_semaphore, #tpu.memory_space<semaphore_mem>>) src(%dma_wait3A_198 : memref<8192x128xi32, #tpu.memory_space<hbm>>) dst(%dma_wait3A_193 : memref<64x128xi32, #tpu.memory_space<vmem>>)
      %mul3A_199 = arith.constant 64 : i32
      %mul3A_200 = arith.muli %add3A_185, %mul3A_199 : i32
      %dma_wait3A_201 = arith.constant 1 : i32
      %dma_wait3A_202 = arith.constant 0 : i32
      %dma_wait3A_203 = arith.constant 1 : i32
      %dma_wait3A_204 = arith.constant 0 : i32
      %dma_wait3A_205 = arith.constant 0 : i32
      %dma_wait3A_206 = tpu.memref_slice %arg6[%dma_wait3A_202, %dma_wait3A_203, %dma_wait3A_204, %dma_wait3A_205] : memref<2x4x64x128xi32, #tpu.memory_space<vmem>> -> memref<1x1x64x128xi32, #tpu.memory_space<vmem>>
      %dma_wait3A_207 = tpu.memref_squeeze %dma_wait3A_206 : memref<1x1x64x128xi32, #tpu.memory_space<vmem>> -> memref<64x128xi32, #tpu.memory_space<vmem>>
      %dma_wait3A_208 = tpu.memref_slice %arg7[%dma_wait3A_201, %mul3A_200] : memref<4x256xi32, #tpu.memory_space<vmem>> -> memref<1x64xi32, #tpu.memory_space<vmem>>
      %dma_wait3A_209 = tpu.memref_squeeze %dma_wait3A_208 : memref<1x64xi32, #tpu.memory_space<vmem>> -> memref<64xi32, #tpu.memory_space<vmem>>
      %dma_wait3A_210 = arith.constant 0 : i32
      %dma_wait3A_211 = arith.constant 0 : i32
      %dma_wait3A_212 = tpu.memref_slice %arg2[%dma_wait3A_210, %dma_wait3A_211] : memref<8192x128xi32, #tpu.memory_space<hbm>> -> memref<8192x128xi32, #tpu.memory_space<hbm>>
      tpu.wait_indirect_dma semaphore(%arg10 : memref<!tpu.dma_semaphore, #tpu.memory_space<semaphore_mem>>) src(%dma_wait3A_212 : memref<8192x128xi32, #tpu.memory_space<hbm>>) dst(%dma_wait3A_207 : memref<64x128xi32, #tpu.memory_space<vmem>>)
      %mul3A_213 = arith.constant 64 : i32
      %mul3A_214 = arith.muli %add3A_185, %mul3A_213 : i32
      %dma_wait3A_215 = arith.constant 2 : i32
      %dma_wait3A_216 = arith.constant 0 : i32
      %dma_wait3A_217 = arith.constant 2 : i32
      %dma_wait3A_218 = arith.constant 0 : i32
      %dma_wait3A_219 = arith.constant 0 : i32
      %dma_wait3A_220 = tpu.memref_slice %arg6[%dma_wait3A_216, %dma_wait3A_217, %dma_wait3A_218, %dma_wait3A_219] : memref<2x4x64x128xi32, #tpu.memory_space<vmem>> -> memref<1x1x64x128xi32, #tpu.memory_space<vmem>>
      %dma_wait3A_221 = tpu.memref_squeeze %dma_wait3A_220 : memref<1x1x64x128xi32, #tpu.memory_space<vmem>> -> memref<64x128xi32, #tpu.memory_space<vmem>>
      %dma_wait3A_222 = tpu.memref_slice %arg7[%dma_wait3A_215, %mul3A_214] : memref<4x256xi32, #tpu.memory_space<vmem>> -> memref<1x64xi32, #tpu.memory_space<vmem>>
      %dma_wait3A_223 = tpu.memref_squeeze %dma_wait3A_222 : memref<1x64xi32, #tpu.memory_space<vmem>> -> memref<64xi32, #tpu.memory_space<vmem>>
      %dma_wait3A_224 = arith.constant 0 : i32
      %dma_wait3A_225 = arith.constant 0 : i32
      %dma_wait3A_226 = tpu.memref_slice %arg2[%dma_wait3A_224, %dma_wait3A_225] : memref<8192x128xi32, #tpu.memory_space<hbm>> -> memref<8192x128xi32, #tpu.memory_space<hbm>>
      tpu.wait_indirect_dma semaphore(%arg10 : memref<!tpu.dma_semaphore, #tpu.memory_space<semaphore_mem>>) src(%dma_wait3A_226 : memref<8192x128xi32, #tpu.memory_space<hbm>>) dst(%dma_wait3A_221 : memref<64x128xi32, #tpu.memory_space<vmem>>)
      %mul3A_227 = arith.constant 64 : i32
      %mul3A_228 = arith.muli %add3A_185, %mul3A_227 : i32
      %dma_wait3A_229 = arith.constant 3 : i32
      %dma_wait3A_230 = arith.constant 0 : i32
      %dma_wait3A_231 = arith.constant 3 : i32
      %dma_wait3A_232 = arith.constant 0 : i32
      %dma_wait3A_233 = arith.constant 0 : i32
      %dma_wait3A_234 = tpu.memref_slice %arg6[%dma_wait3A_230, %dma_wait3A_231, %dma_wait3A_232, %dma_wait3A_233] : memref<2x4x64x128xi32, #tpu.memory_space<vmem>> -> memref<1x1x64x128xi32, #tpu.memory_space<vmem>>
      %dma_wait3A_235 = tpu.memref_squeeze %dma_wait3A_234 : memref<1x1x64x128xi32, #tpu.memory_space<vmem>> -> memref<64x128xi32, #tpu.memory_space<vmem>>
      %dma_wait3A_236 = tpu.memref_slice %arg7[%dma_wait3A_229, %mul3A_228] : memref<4x256xi32, #tpu.memory_space<vmem>> -> memref<1x64xi32, #tpu.memory_space<vmem>>
      %dma_wait3A_237 = tpu.memref_squeeze %dma_wait3A_236 : memref<1x64xi32, #tpu.memory_space<vmem>> -> memref<64xi32, #tpu.memory_space<vmem>>
      %dma_wait3A_238 = arith.constant 0 : i32
      %dma_wait3A_239 = arith.constant 0 : i32
      %dma_wait3A_240 = tpu.memref_slice %arg2[%dma_wait3A_238, %dma_wait3A_239] : memref<8192x128xi32, #tpu.memory_space<hbm>> -> memref<8192x128xi32, #tpu.memory_space<hbm>>
      tpu.wait_indirect_dma semaphore(%arg10 : memref<!tpu.dma_semaphore, #tpu.memory_space<semaphore_mem>>) src(%dma_wait3A_240 : memref<8192x128xi32, #tpu.memory_space<hbm>>) dst(%dma_wait3A_235 : memref<64x128xi32, #tpu.memory_space<vmem>>)
      %scan3A_241 = arith.constant 0 : i32
      %scan3A_242 = arith.constant 0 : i32
      %scan3A_243 = arith.constant 0 : i32
      %scan3A_244 = arith.constant 4 : i32
      %scan3A_245 = arith.addi %scan3A_243, %scan3A_244 : i32
      %scan3A_246 = arith.constant 1 : i32
      scf.for %scan3A_326 = %scan3A_243 to %scan3A_245 step %scan3A_246  : i32 {
        %broadcast_in_dim3A_327 = arith.constant 0.000000e+00 : f32
        %broadcast_in_dim3A_328 = vector.broadcast %broadcast_in_dim3A_327 : f32 to vector<16xf32>
        %scan3A_329 = arith.constant 0 : i32
        %scan3A_330 = arith.constant 16 : i32
        %scan3A_331 = arith.addi %scan3A_329, %scan3A_330 : i32
        %scan3A_332 = arith.constant 1 : i32
        %scan3A_333 = scf.for %scan3A_341 = %scan3A_329 to %scan3A_331 step %scan3A_332 iter_args(%scan3A_342 = %broadcast_in_dim3A_328) -> (vector<16xf32>)  : i32 {
          %mul3A_343 = arith.constant 16 : i32
          %mul3A_344 = arith.muli %scan3A_326, %mul3A_343 : i32
          %add3A_345 = arith.addi %mul3A_344, %scan3A_341 : i32
          %broadcast_in_dim3A_346 = arith.constant 0.000000e+00 : f32
          %broadcast_in_dim3A_347 = vector.broadcast %broadcast_in_dim3A_346 : f32 to vector<16xf32>
          %broadcast_in_dim3A_348 = arith.constant 0.000000e+00 : f32
          %broadcast_in_dim3A_349 = vector.broadcast %broadcast_in_dim3A_348 : f32 to vector<16xf32>
          %get3A_350 = arith.constant 0 : i32
          %get3A_351 = arith.constant 0 : i32
          %get3A_352 = arith.constant 0 : i32
          %get3A_353 = arith.constant 0 : i32
          %get3A_354 = tpu.memref_slice %arg6[%scan3A_242, %get3A_351, %get3A_352, %get3A_353] : memref<2x4x64x128xi32, #tpu.memory_space<vmem>> -> memref<1x4x64x128xi32, #tpu.memory_space<vmem>>
          %get3A_355 = tpu.memref_squeeze %get3A_354 : memref<1x4x64x128xi32, #tpu.memory_space<vmem>> -> memref<4x64x128xi32, #tpu.memory_space<vmem>>
          %get3A_356 = arith.index_cast %get3A_350 : i32 to index
          %get3A_357 = arith.index_cast %add3A_345 : i32 to index
          %get3A_358 = arith.constant 0 : index
          %get3A_359 = tpu.vector_load %get3A_355[%get3A_356, %get3A_357, %get3A_358] {strides = array<i32>} : memref<4x64x128xi32, #tpu.memory_space<vmem>>, vector<16xi32>,
          %bitcast3A = vector.bitcast %get3A_359 : vector<16xi32> to vector<32xbf16>
          %get3A_360 = arith.constant 1 : i32
          %get3A_361 = arith.constant 0 : i32
          %get3A_362 = arith.constant 0 : i32
          %get3A_363 = arith.constant 0 : i32
          %get3A_364 = tpu.memref_slice %arg6[%scan3A_242, %get3A_361, %get3A_362, %get3A_363] : memref<2x4x64x128xi32, #tpu.memory_space<vmem>> -> memref<1x4x64x128xi32, #tpu.memory_space<vmem>>
          %get3A_365 = tpu.memref_squeeze %get3A_364 : memref<1x4x64x128xi32, #tpu.memory_space<vmem>> -> memref<4x64x128xi32, #tpu.memory_space<vmem>>
          %get3A_366 = arith.index_cast %get3A_360 : i32 to index
          %get3A_367 = arith.index_cast %add3A_345 : i32 to index
          %get3A_368 = arith.constant 0 : index
          %get3A_369 = tpu.vector_load %get3A_365[%get3A_366, %get3A_367, %get3A_368] {strides = array<i32>} : memref<4x64x128xi32, #tpu.memory_space<vmem>>, vector<16xi32>,
          %bitcast3A_370 = vector.bitcast %get3A_369 : vector<16xi32> to vector<32xbf16>
          %get3A_371 = arith.constant 2 : i32
          %get3A_372 = arith.constant 0 : i32
          %get3A_373 = arith.constant 0 : i32
          %get3A_374 = arith.constant 0 : i32
          %get3A_375 = tpu.memref_slice %arg6[%scan3A_242, %get3A_372, %get3A_373, %get3A_374] : memref<2x4x64x128xi32, #tpu.memory_space<vmem>> -> memref<1x4x64x128xi32, #tpu.memory_space<vmem>>
          %get3A_376 = tpu.memref_squeeze %get3A_375 : memref<1x4x64x128xi32, #tpu.memory_space<vmem>> -> memref<4x64x128xi32, #tpu.memory_space<vmem>>
          %get3A_377 = arith.index_cast %get3A_371 : i32 to index
          %get3A_378 = arith.index_cast %add3A_345 : i32 to index
          %get3A_379 = arith.constant 0 : index
          %get3A_380 = tpu.vector_load %get3A_376[%get3A_377, %get3A_378, %get3A_379] {strides = array<i32>} : memref<4x64x128xi32, #tpu.memory_space<vmem>>, vector<16xi32>,
          %bitcast3A_381 = vector.bitcast %get3A_380 : vector<16xi32> to vector<32xbf16>
          %get3A_382 = arith.constant 3 : i32
          %get3A_383 = arith.constant 0 : i32
          %get3A_384 = arith.constant 0 : i32
          %get3A_385 = arith.constant 0 : i32
          %get3A_386 = tpu.memref_slice %arg6[%scan3A_242, %get3A_383, %get3A_384, %get3A_385] : memref<2x4x64x128xi32, #tpu.memory_space<vmem>> -> memref<1x4x64x128xi32, #tpu.memory_space<vmem>>
          %get3A_387 = tpu.memref_squeeze %get3A_386 : memref<1x4x64x128xi32, #tpu.memory_space<vmem>> -> memref<4x64x128xi32, #tpu.memory_space<vmem>>
          %get3A_388 = arith.index_cast %get3A_382 : i32 to index
          %get3A_389 = arith.index_cast %add3A_345 : i32 to index
          %get3A_390 = arith.constant 0 : index
          %get3A_391 = tpu.vector_load %get3A_387[%get3A_388, %get3A_389, %get3A_390] {strides = array<i32>} : memref<4x64x128xi32, #tpu.memory_space<vmem>>, vector<16xi32>,
          %bitcast3A_392 = vector.bitcast %get3A_391 : vector<16xi32> to vector<32xbf16>
          %max3A = arith.maximumf %bitcast3A, %bitcast3A_370 : vector<32xbf16>
          %max3A_393 = arith.maximumf %bitcast3A_381, %bitcast3A_392 : vector<32xbf16>
          %max3A_394 = arith.maximumf %max3A, %max3A_393 : vector<32xbf16>
          %unpack3A = tpu.unpack_subelements %max3A_394, 0 {pack_format = #tpu.pack_format<interleaved>} : vector<32xbf16> -> vector<16xf32>
          %unpack3A_395 = tpu.unpack_subelements %max3A_394, 1 {pack_format = #tpu.pack_format<interleaved>} : vector<32xbf16> -> vector<16xf32>
          %mul3A_396 = arith.mulf %unpack3A, %get3A_24 : vector<16xf32>
          %add3A_397 = arith.addf %broadcast_in_dim3A_347, %mul3A_396 : vector<16xf32>
          %mul3A_398 = arith.mulf %unpack3A_395, %get3A_40 : vector<16xf32>
          %add3A_399 = arith.addf %broadcast_in_dim3A_349, %mul3A_398 : vector<16xf32>
          %get3A_400 = arith.constant 0 : i32
          %get3A_401 = arith.constant 0 : i32
          %get3A_402 = arith.constant 0 : i32
          %get3A_403 = arith.constant 0 : i32
          %get3A_404 = tpu.memref_slice %arg6[%scan3A_242, %get3A_401, %get3A_402, %get3A_403] : memref<2x4x64x128xi32, #tpu.memory_space<vmem>> -> memref<1x4x64x128xi32, #tpu.memory_space<vmem>>
          %get3A_405 = tpu.memref_squeeze %get3A_404 : memref<1x4x64x128xi32, #tpu.memory_space<vmem>> -> memref<4x64x128xi32, #tpu.memory_space<vmem>>
          %get3A_406 = arith.index_cast %get3A_400 : i32 to index
          %get3A_407 = arith.index_cast %add3A_345 : i32 to index
          %get3A_408 = arith.constant 16 : index
          %get3A_409 = tpu.vector_load %get3A_405[%get3A_406, %get3A_407, %get3A_408] {strides = array<i32>} : memref<4x64x128xi32, #tpu.memory_space<vmem>>, vector<16xi32>,
          %bitcast3A_410 = vector.bitcast %get3A_409 : vector<16xi32> to vector<32xbf16>
          %get3A_411 = arith.constant 1 : i32
          %get3A_412 = arith.constant 0 : i32
          %get3A_413 = arith.constant 0 : i32
          %get3A_414 = arith.constant 0 : i32
          %get3A_415 = tpu.memref_slice %arg6[%scan3A_242, %get3A_412, %get3A_413, %get3A_414] : memref<2x4x64x128xi32, #tpu.memory_space<vmem>> -> memref<1x4x64x128xi32, #tpu.memory_space<vmem>>
          %get3A_416 = tpu.memref_squeeze %get3A_415 : memref<1x4x64x128xi32, #tpu.memory_space<vmem>> -> memref<4x64x128xi32, #tpu.memory_space<vmem>>
          %get3A_417 = arith.index_cast %get3A_411 : i32 to index
          %get3A_418 = arith.index_cast %add3A_345 : i32 to index
          %get3A_419 = arith.constant 16 : index
          %get3A_420 = tpu.vector_load %get3A_416[%get3A_417, %get3A_418, %get3A_419] {strides = array<i32>} : memref<4x64x128xi32, #tpu.memory_space<vmem>>, vector<16xi32>,
          %bitcast3A_421 = vector.bitcast %get3A_420 : vector<16xi32> to vector<32xbf16>
          %get3A_422 = arith.constant 2 : i32
          %get3A_423 = arith.constant 0 : i32
          %get3A_424 = arith.constant 0 : i32
          %get3A_425 = arith.constant 0 : i32
          %get3A_426 = tpu.memref_slice %arg6[%scan3A_242, %get3A_423, %get3A_424, %get3A_425] : memref<2x4x64x128xi32, #tpu.memory_space<vmem>> -> memref<1x4x64x128xi32, #tpu.memory_space<vmem>>
          %get3A_427 = tpu.memref_squeeze %get3A_426 : memref<1x4x64x128xi32, #tpu.memory_space<vmem>> -> memref<4x64x128xi32, #tpu.memory_space<vmem>>
          %get3A_428 = arith.index_cast %get3A_422 : i32 to index
          %get3A_429 = arith.index_cast %add3A_345 : i32 to index
          %get3A_430 = arith.constant 16 : index
          %get3A_431 = tpu.vector_load %get3A_427[%get3A_428, %get3A_429, %get3A_430] {strides = array<i32>} : memref<4x64x128xi32, #tpu.memory_space<vmem>>, vector<16xi32>,
          %bitcast3A_432 = vector.bitcast %get3A_431 : vector<16xi32> to vector<32xbf16>
          %get3A_433 = arith.constant 3 : i32
          %get3A_434 = arith.constant 0 : i32
          %get3A_435 = arith.constant 0 : i32
          %get3A_436 = arith.constant 0 : i32
          %get3A_437 = tpu.memref_slice %arg6[%scan3A_242, %get3A_434, %get3A_435, %get3A_436] : memref<2x4x64x128xi32, #tpu.memory_space<vmem>> -> memref<1x4x64x128xi32, #tpu.memory_space<vmem>>
          %get3A_438 = tpu.memref_squeeze %get3A_437 : memref<1x4x64x128xi32, #tpu.memory_space<vmem>> -> memref<4x64x128xi32, #tpu.memory_space<vmem>>
          %get3A_439 = arith.index_cast %get3A_433 : i32 to index
          %get3A_440 = arith.index_cast %add3A_345 : i32 to index
          %get3A_441 = arith.constant 16 : index
          %get3A_442 = tpu.vector_load %get3A_438[%get3A_439, %get3A_440, %get3A_441] {strides = array<i32>} : memref<4x64x128xi32, #tpu.memory_space<vmem>>, vector<16xi32>,
          %bitcast3A_443 = vector.bitcast %get3A_442 : vector<16xi32> to vector<32xbf16>
          %max3A_444 = arith.maximumf %bitcast3A_410, %bitcast3A_421 : vector<32xbf16>
          %max3A_445 = arith.maximumf %bitcast3A_432, %bitcast3A_443 : vector<32xbf16>
          %max3A_446 = arith.maximumf %max3A_444, %max3A_445 : vector<32xbf16>
          %unpack3A_447 = tpu.unpack_subelements %max3A_446, 0 {pack_format = #tpu.pack_format<interleaved>} : vector<32xbf16> -> vector<16xf32>
          %unpack3A_448 = tpu.unpack_subelements %max3A_446, 1 {pack_format = #tpu.pack_format<interleaved>} : vector<32xbf16> -> vector<16xf32>
          %mul3A_449 = arith.mulf %unpack3A_447, %get3A_26 : vector<16xf32>
          %add3A_450 = arith.addf %add3A_397, %mul3A_449 : vector<16xf32>
          %mul3A_451 = arith.mulf %unpack3A_448, %get3A_42 : vector<16xf32>
          %add3A_452 = arith.addf %add3A_399, %mul3A_451 : vector<16xf32>
          %get3A_453 = arith.constant 0 : i32
          %get3A_454 = arith.constant 0 : i32
          %get3A_455 = arith.constant 0 : i32
          %get3A_456 = arith.constant 0 : i32
          %get3A_457 = tpu.memref_slice %arg6[%scan3A_242, %get3A_454, %get3A_455, %get3A_456] : memref<2x4x64x128xi32, #tpu.memory_space<vmem>> -> memref<1x4x64x128xi32, #tpu.memory_space<vmem>>
          %get3A_458 = tpu.memref_squeeze %get3A_457 : memref<1x4x64x128xi32, #tpu.memory_space<vmem>> -> memref<4x64x128xi32, #tpu.memory_space<vmem>>
          %get3A_459 = arith.index_cast %get3A_453 : i32 to index
          %get3A_460 = arith.index_cast %add3A_345 : i32 to index
          %get3A_461 = arith.constant 32 : index
          %get3A_462 = tpu.vector_load %get3A_458[%get3A_459, %get3A_460, %get3A_461] {strides = array<i32>} : memref<4x64x128xi32, #tpu.memory_space<vmem>>, vector<16xi32>,
          %bitcast3A_463 = vector.bitcast %get3A_462 : vector<16xi32> to vector<32xbf16>
          %get3A_464 = arith.constant 1 : i32
          %get3A_465 = arith.constant 0 : i32
          %get3A_466 = arith.constant 0 : i32
          %get3A_467 = arith.constant 0 : i32
          %get3A_468 = tpu.memref_slice %arg6[%scan3A_242, %get3A_465, %get3A_466, %get3A_467] : memref<2x4x64x128xi32, #tpu.memory_space<vmem>> -> memref<1x4x64x128xi32, #tpu.memory_space<vmem>>
          %get3A_469 = tpu.memref_squeeze %get3A_468 : memref<1x4x64x128xi32, #tpu.memory_space<vmem>> -> memref<4x64x128xi32, #tpu.memory_space<vmem>>
          %get3A_470 = arith.index_cast %get3A_464 : i32 to index
          %get3A_471 = arith.index_cast %add3A_345 : i32 to index
          %get3A_472 = arith.constant 32 : index
          %get3A_473 = tpu.vector_load %get3A_469[%get3A_470, %get3A_471, %get3A_472] {strides = array<i32>} : memref<4x64x128xi32, #tpu.memory_space<vmem>>, vector<16xi32>,
          %bitcast3A_474 = vector.bitcast %get3A_473 : vector<16xi32> to vector<32xbf16>
          %get3A_475 = arith.constant 2 : i32
          %get3A_476 = arith.constant 0 : i32
          %get3A_477 = arith.constant 0 : i32
          %get3A_478 = arith.constant 0 : i32
          %get3A_479 = tpu.memref_slice %arg6[%scan3A_242, %get3A_476, %get3A_477, %get3A_478] : memref<2x4x64x128xi32, #tpu.memory_space<vmem>> -> memref<1x4x64x128xi32, #tpu.memory_space<vmem>>
          %get3A_480 = tpu.memref_squeeze %get3A_479 : memref<1x4x64x128xi32, #tpu.memory_space<vmem>> -> memref<4x64x128xi32, #tpu.memory_space<vmem>>
          %get3A_481 = arith.index_cast %get3A_475 : i32 to index
          %get3A_482 = arith.index_cast %add3A_345 : i32 to index
          %get3A_483 = arith.constant 32 : index
          %get3A_484 = tpu.vector_load %get3A_480[%get3A_481, %get3A_482, %get3A_483] {strides = array<i32>} : memref<4x64x128xi32, #tpu.memory_space<vmem>>, vector<16xi32>,
          %bitcast3A_485 = vector.bitcast %get3A_484 : vector<16xi32> to vector<32xbf16>
          %get3A_486 = arith.constant 3 : i32
          %get3A_487 = arith.constant 0 : i32
          %get3A_488 = arith.constant 0 : i32
          %get3A_489 = arith.constant 0 : i32
          %get3A_490 = tpu.memref_slice %arg6[%scan3A_242, %get3A_487, %get3A_488, %get3A_489] : memref<2x4x64x128xi32, #tpu.memory_space<vmem>> -> memref<1x4x64x128xi32, #tpu.memory_space<vmem>>
          %get3A_491 = tpu.memref_squeeze %get3A_490 : memref<1x4x64x128xi32, #tpu.memory_space<vmem>> -> memref<4x64x128xi32, #tpu.memory_space<vmem>>
          %get3A_492 = arith.index_cast %get3A_486 : i32 to index
          %get3A_493 = arith.index_cast %add3A_345 : i32 to index
          %get3A_494 = arith.constant 32 : index
          %get3A_495 = tpu.vector_load %get3A_491[%get3A_492, %get3A_493, %get3A_494] {strides = array<i32>} : memref<4x64x128xi32, #tpu.memory_space<vmem>>, vector<16xi32>,
          %bitcast3A_496 = vector.bitcast %get3A_495 : vector<16xi32> to vector<32xbf16>
          %max3A_497 = arith.maximumf %bitcast3A_463, %bitcast3A_474 : vector<32xbf16>
          %max3A_498 = arith.maximumf %bitcast3A_485, %bitcast3A_496 : vector<32xbf16>
          %max3A_499 = arith.maximumf %max3A_497, %max3A_498 : vector<32xbf16>
          %unpack3A_500 = tpu.unpack_subelements %max3A_499, 0 {pack_format = #tpu.pack_format<interleaved>} : vector<32xbf16> -> vector<16xf32>
          %unpack3A_501 = tpu.unpack_subelements %max3A_499, 1 {pack_format = #tpu.pack_format<interleaved>} : vector<32xbf16> -> vector<16xf32>
          %mul3A_502 = arith.mulf %unpack3A_500, %get3A_28 : vector<16xf32>
          %add3A_503 = arith.addf %add3A_450, %mul3A_502 : vector<16xf32>
          %mul3A_504 = arith.mulf %unpack3A_501, %get3A_44 : vector<16xf32>
          %add3A_505 = arith.addf %add3A_452, %mul3A_504 : vector<16xf32>
          %get3A_506 = arith.constant 0 : i32
          %get3A_507 = arith.constant 0 : i32
          %get3A_508 = arith.constant 0 : i32
          %get3A_509 = arith.constant 0 : i32
          %get3A_510 = tpu.memref_slice %arg6[%scan3A_242, %get3A_507, %get3A_508, %get3A_509] : memref<2x4x64x128xi32, #tpu.memory_space<vmem>> -> memref<1x4x64x128xi32, #tpu.memory_space<vmem>>
          %get3A_511 = tpu.memref_squeeze %get3A_510 : memref<1x4x64x128xi32, #tpu.memory_space<vmem>> -> memref<4x64x128xi32, #tpu.memory_space<vmem>>
          %get3A_512 = arith.index_cast %get3A_506 : i32 to index
          %get3A_513 = arith.index_cast %add3A_345 : i32 to index
          %get3A_514 = arith.constant 48 : index
          %get3A_515 = tpu.vector_load %get3A_511[%get3A_512, %get3A_513, %get3A_514] {strides = array<i32>} : memref<4x64x128xi32, #tpu.memory_space<vmem>>, vector<16xi32>,
          %bitcast3A_516 = vector.bitcast %get3A_515 : vector<16xi32> to vector<32xbf16>
          %get3A_517 = arith.constant 1 : i32
          %get3A_518 = arith.constant 0 : i32
          %get3A_519 = arith.constant 0 : i32
          %get3A_520 = arith.constant 0 : i32
          %get3A_521 = tpu.memref_slice %arg6[%scan3A_242, %get3A_518, %get3A_519, %get3A_520] : memref<2x4x64x128xi32, #tpu.memory_space<vmem>> -> memref<1x4x64x128xi32, #tpu.memory_space<vmem>>
          %get3A_522 = tpu.memref_squeeze %get3A_521 : memref<1x4x64x128xi32, #tpu.memory_space<vmem>> -> memref<4x64x128xi32, #tpu.memory_space<vmem>>
          %get3A_523 = arith.index_cast %get3A_517 : i32 to index
          %get3A_524 = arith.index_cast %add3A_345 : i32 to index
          %get3A_525 = arith.constant 48 : index
          %get3A_526 = tpu.vector_load %get3A_522[%get3A_523, %get3A_524, %get3A_525] {strides = array<i32>} : memref<4x64x128xi32, #tpu.memory_space<vmem>>, vector<16xi32>,
          %bitcast3A_527 = vector.bitcast %get3A_526 : vector<16xi32> to vector<32xbf16>
          %get3A_528 = arith.constant 2 : i32
          %get3A_529 = arith.constant 0 : i32
          %get3A_530 = arith.constant 0 : i32
          %get3A_531 = arith.constant 0 : i32
          %get3A_532 = tpu.memref_slice %arg6[%scan3A_242, %get3A_529, %get3A_530, %get3A_531] : memref<2x4x64x128xi32, #tpu.memory_space<vmem>> -> memref<1x4x64x128xi32, #tpu.memory_space<vmem>>
          %get3A_533 = tpu.memref_squeeze %get3A_532 : memref<1x4x64x128xi32, #tpu.memory_space<vmem>> -> memref<4x64x128xi32, #tpu.memory_space<vmem>>
          %get3A_534 = arith.index_cast %get3A_528 : i32 to index
          %get3A_535 = arith.index_cast %add3A_345 : i32 to index
          %get3A_536 = arith.constant 48 : index
          %get3A_537 = tpu.vector_load %get3A_533[%get3A_534, %get3A_535, %get3A_536] {strides = array<i32>} : memref<4x64x128xi32, #tpu.memory_space<vmem>>, vector<16xi32>,
          %bitcast3A_538 = vector.bitcast %get3A_537 : vector<16xi32> to vector<32xbf16>
          %get3A_539 = arith.constant 3 : i32
          %get3A_540 = arith.constant 0 : i32
          %get3A_541 = arith.constant 0 : i32
          %get3A_542 = arith.constant 0 : i32
          %get3A_543 = tpu.memref_slice %arg6[%scan3A_242, %get3A_540, %get3A_541, %get3A_542] : memref<2x4x64x128xi32, #tpu.memory_space<vmem>> -> memref<1x4x64x128xi32, #tpu.memory_space<vmem>>
          %get3A_544 = tpu.memref_squeeze %get3A_543 : memref<1x4x64x128xi32, #tpu.memory_space<vmem>> -> memref<4x64x128xi32, #tpu.memory_space<vmem>>
          %get3A_545 = arith.index_cast %get3A_539 : i32 to index
          %get3A_546 = arith.index_cast %add3A_345 : i32 to index
          %get3A_547 = arith.constant 48 : index
          %get3A_548 = tpu.vector_load %get3A_544[%get3A_545, %get3A_546, %get3A_547] {strides = array<i32>} : memref<4x64x128xi32, #tpu.memory_space<vmem>>, vector<16xi32>,
          %bitcast3A_549 = vector.bitcast %get3A_548 : vector<16xi32> to vector<32xbf16>
          %max3A_550 = arith.maximumf %bitcast3A_516, %bitcast3A_527 : vector<32xbf16>
          %max3A_551 = arith.maximumf %bitcast3A_538, %bitcast3A_549 : vector<32xbf16>
          %max3A_552 = arith.maximumf %max3A_550, %max3A_551 : vector<32xbf16>
          %unpack3A_553 = tpu.unpack_subelements %max3A_552, 0 {pack_format = #tpu.pack_format<interleaved>} : vector<32xbf16> -> vector<16xf32>
          %unpack3A_554 = tpu.unpack_subelements %max3A_552, 1 {pack_format = #tpu.pack_format<interleaved>} : vector<32xbf16> -> vector<16xf32>
          %mul3A_555 = arith.mulf %unpack3A_553, %get3A_30 : vector<16xf32>
          %add3A_556 = arith.addf %add3A_503, %mul3A_555 : vector<16xf32>
          %mul3A_557 = arith.mulf %unpack3A_554, %get3A_46 : vector<16xf32>
          %add3A_558 = arith.addf %add3A_505, %mul3A_557 : vector<16xf32>
          %get3A_559 = arith.constant 0 : i32
          %get3A_560 = arith.constant 0 : i32
          %get3A_561 = arith.constant 0 : i32
          %get3A_562 = arith.constant 0 : i32
          %get3A_563 = tpu.memref_slice %arg6[%scan3A_242, %get3A_560, %get3A_561, %get3A_562] : memref<2x4x64x128xi32, #tpu.memory_space<vmem>> -> memref<1x4x64x128xi32, #tpu.memory_space<vmem>>
          %get3A_564 = tpu.memref_squeeze %get3A_563 : memref<1x4x64x128xi32, #tpu.memory_space<vmem>> -> memref<4x64x128xi32, #tpu.memory_space<vmem>>
          %get3A_565 = arith.index_cast %get3A_559 : i32 to index
          %get3A_566 = arith.index_cast %add3A_345 : i32 to index
          %get3A_567 = arith.constant 64 : index
          %get3A_568 = tpu.vector_load %get3A_564[%get3A_565, %get3A_566, %get3A_567] {strides = array<i32>} : memref<4x64x128xi32, #tpu.memory_space<vmem>>, vector<16xi32>,
          %bitcast3A_569 = vector.bitcast %get3A_568 : vector<16xi32> to vector<32xbf16>
          %get3A_570 = arith.constant 1 : i32
          %get3A_571 = arith.constant 0 : i32
          %get3A_572 = arith.constant 0 : i32
          %get3A_573 = arith.constant 0 : i32
          %get3A_574 = tpu.memref_slice %arg6[%scan3A_242, %get3A_571, %get3A_572, %get3A_573] : memref<2x4x64x128xi32, #tpu.memory_space<vmem>> -> memref<1x4x64x128xi32, #tpu.memory_space<vmem>>
          %get3A_575 = tpu.memref_squeeze %get3A_574 : memref<1x4x64x128xi32, #tpu.memory_space<vmem>> -> memref<4x64x128xi32, #tpu.memory_space<vmem>>
          %get3A_576 = arith.index_cast %get3A_570 : i32 to index
          %get3A_577 = arith.index_cast %add3A_345 : i32 to index
          %get3A_578 = arith.constant 64 : index
          %get3A_579 = tpu.vector_load %get3A_575[%get3A_576, %get3A_577, %get3A_578] {strides = array<i32>} : memref<4x64x128xi32, #tpu.memory_space<vmem>>, vector<16xi32>,
          %bitcast3A_580 = vector.bitcast %get3A_579 : vector<16xi32> to vector<32xbf16>
          %get3A_581 = arith.constant 2 : i32
          %get3A_582 = arith.constant 0 : i32
          %get3A_583 = arith.constant 0 : i32
          %get3A_584 = arith.constant 0 : i32
          %get3A_585 = tpu.memref_slice %arg6[%scan3A_242, %get3A_582, %get3A_583, %get3A_584] : memref<2x4x64x128xi32, #tpu.memory_space<vmem>> -> memref<1x4x64x128xi32, #tpu.memory_space<vmem>>
          %get3A_586 = tpu.memref_squeeze %get3A_585 : memref<1x4x64x128xi32, #tpu.memory_space<vmem>> -> memref<4x64x128xi32, #tpu.memory_space<vmem>>
          %get3A_587 = arith.index_cast %get3A_581 : i32 to index
          %get3A_588 = arith.index_cast %add3A_345 : i32 to index
          %get3A_589 = arith.constant 64 : index
          %get3A_590 = tpu.vector_load %get3A_586[%get3A_587, %get3A_588, %get3A_589] {strides = array<i32>} : memref<4x64x128xi32, #tpu.memory_space<vmem>>, vector<16xi32>,
          %bitcast3A_591 = vector.bitcast %get3A_590 : vector<16xi32> to vector<32xbf16>
          %get3A_592 = arith.constant 3 : i32
          %get3A_593 = arith.constant 0 : i32
          %get3A_594 = arith.constant 0 : i32
          %get3A_595 = arith.constant 0 : i32
          %get3A_596 = tpu.memref_slice %arg6[%scan3A_242, %get3A_593, %get3A_594, %get3A_595] : memref<2x4x64x128xi32, #tpu.memory_space<vmem>> -> memref<1x4x64x128xi32, #tpu.memory_space<vmem>>
          %get3A_597 = tpu.memref_squeeze %get3A_596 : memref<1x4x64x128xi32, #tpu.memory_space<vmem>> -> memref<4x64x128xi32, #tpu.memory_space<vmem>>
          %get3A_598 = arith.index_cast %get3A_592 : i32 to index
          %get3A_599 = arith.index_cast %add3A_345 : i32 to index
          %get3A_600 = arith.constant 64 : index
          %get3A_601 = tpu.vector_load %get3A_597[%get3A_598, %get3A_599, %get3A_600] {strides = array<i32>} : memref<4x64x128xi32, #tpu.memory_space<vmem>>, vector<16xi32>,
          %bitcast3A_602 = vector.bitcast %get3A_601 : vector<16xi32> to vector<32xbf16>
          %max3A_603 = arith.maximumf %bitcast3A_569, %bitcast3A_580 : vector<32xbf16>
          %max3A_604 = arith.maximumf %bitcast3A_591, %bitcast3A_602 : vector<32xbf16>
          %max3A_605 = arith.maximumf %max3A_603, %max3A_604 : vector<32xbf16>
          %unpack3A_606 = tpu.unpack_subelements %max3A_605, 0 {pack_format = #tpu.pack_format<interleaved>} : vector<32xbf16> -> vector<16xf32>
          %unpack3A_607 = tpu.unpack_subelements %max3A_605, 1 {pack_format = #tpu.pack_format<interleaved>} : vector<32xbf16> -> vector<16xf32>
          %mul3A_608 = arith.mulf %unpack3A_606, %get3A_32 : vector<16xf32>
          %add3A_609 = arith.addf %add3A_556, %mul3A_608 : vector<16xf32>
          %mul3A_610 = arith.mulf %unpack3A_607, %get3A_48 : vector<16xf32>
          %add3A_611 = arith.addf %add3A_558, %mul3A_610 : vector<16xf32>
          %get3A_612 = arith.constant 0 : i32
          %get3A_613 = arith.constant 0 : i32
          %get3A_614 = arith.constant 0 : i32
          %get3A_615 = arith.constant 0 : i32
          %get3A_616 = tpu.memref_slice %arg6[%scan3A_242, %get3A_613, %get3A_614, %get3A_615] : memref<2x4x64x128xi32, #tpu.memory_space<vmem>> -> memref<1x4x64x128xi32, #tpu.memory_space<vmem>>
          %get3A_617 = tpu.memref_squeeze %get3A_616 : memref<1x4x64x128xi32, #tpu.memory_space<vmem>> -> memref<4x64x128xi32, #tpu.memory_space<vmem>>
          %get3A_618 = arith.index_cast %get3A_612 : i32 to index
          %get3A_619 = arith.index_cast %add3A_345 : i32 to index
          %get3A_620 = arith.constant 80 : index
          %get3A_621 = tpu.vector_load %get3A_617[%get3A_618, %get3A_619, %get3A_620] {strides = array<i32>} : memref<4x64x128xi32, #tpu.memory_space<vmem>>, vector<16xi32>,
          %bitcast3A_622 = vector.bitcast %get3A_621 : vector<16xi32> to vector<32xbf16>
          %get3A_623 = arith.constant 1 : i32
          %get3A_624 = arith.constant 0 : i32
          %get3A_625 = arith.constant 0 : i32
          %get3A_626 = arith.constant 0 : i32
          %get3A_627 = tpu.memref_slice %arg6[%scan3A_242, %get3A_624, %get3A_625, %get3A_626] : memref<2x4x64x128xi32, #tpu.memory_space<vmem>> -> memref<1x4x64x128xi32, #tpu.memory_space<vmem>>
          %get3A_628 = tpu.memref_squeeze %get3A_627 : memref<1x4x64x128xi32, #tpu.memory_space<vmem>> -> memref<4x64x128xi32, #tpu.memory_space<vmem>>
          %get3A_629 = arith.index_cast %get3A_623 : i32 to index
          %get3A_630 = arith.index_cast %add3A_345 : i32 to index
          %get3A_631 = arith.constant 80 : index
          %get3A_632 = tpu.vector_load %get3A_628[%get3A_629, %get3A_630, %get3A_631] {strides = array<i32>} : memref<4x64x128xi32, #tpu.memory_space<vmem>>, vector<16xi32>,
          %bitcast3A_633 = vector.bitcast %get3A_632 : vector<16xi32> to vector<32xbf16>
          %get3A_634 = arith.constant 2 : i32
          %get3A_635 = arith.constant 0 : i32
          %get3A_636 = arith.constant 0 : i32
          %get3A_637 = arith.constant 0 : i32
          %get3A_638 = tpu.memref_slice %arg6[%scan3A_242, %get3A_635, %get3A_636, %get3A_637] : memref<2x4x64x128xi32, #tpu.memory_space<vmem>> -> memref<1x4x64x128xi32, #tpu.memory_space<vmem>>
          %get3A_639 = tpu.memref_squeeze %get3A_638 : memref<1x4x64x128xi32, #tpu.memory_space<vmem>> -> memref<4x64x128xi32, #tpu.memory_space<vmem>>
          %get3A_640 = arith.index_cast %get3A_634 : i32 to index
          %get3A_641 = arith.index_cast %add3A_345 : i32 to index
          %get3A_642 = arith.constant 80 : index
          %get3A_643 = tpu.vector_load %get3A_639[%get3A_640, %get3A_641, %get3A_642] {strides = array<i32>} : memref<4x64x128xi32, #tpu.memory_space<vmem>>, vector<16xi32>,
          %bitcast3A_644 = vector.bitcast %get3A_643 : vector<16xi32> to vector<32xbf16>
          %get3A_645 = arith.constant 3 : i32
          %get3A_646 = arith.constant 0 : i32
          %get3A_647 = arith.constant 0 : i32
          %get3A_648 = arith.constant 0 : i32
          %get3A_649 = tpu.memref_slice %arg6[%scan3A_242, %get3A_646, %get3A_647, %get3A_648] : memref<2x4x64x128xi32, #tpu.memory_space<vmem>> -> memref<1x4x64x128xi32, #tpu.memory_space<vmem>>
          %get3A_650 = tpu.memref_squeeze %get3A_649 : memref<1x4x64x128xi32, #tpu.memory_space<vmem>> -> memref<4x64x128xi32, #tpu.memory_space<vmem>>
          %get3A_651 = arith.index_cast %get3A_645 : i32 to index
          %get3A_652 = arith.index_cast %add3A_345 : i32 to index
          %get3A_653 = arith.constant 80 : index
          %get3A_654 = tpu.vector_load %get3A_650[%get3A_651, %get3A_652, %get3A_653] {strides = array<i32>} : memref<4x64x128xi32, #tpu.memory_space<vmem>>, vector<16xi32>,
          %bitcast3A_655 = vector.bitcast %get3A_654 : vector<16xi32> to vector<32xbf16>
          %max3A_656 = arith.maximumf %bitcast3A_622, %bitcast3A_633 : vector<32xbf16>
          %max3A_657 = arith.maximumf %bitcast3A_644, %bitcast3A_655 : vector<32xbf16>
          %max3A_658 = arith.maximumf %max3A_656, %max3A_657 : vector<32xbf16>
          %unpack3A_659 = tpu.unpack_subelements %max3A_658, 0 {pack_format = #tpu.pack_format<interleaved>} : vector<32xbf16> -> vector<16xf32>
          %unpack3A_660 = tpu.unpack_subelements %max3A_658, 1 {pack_format = #tpu.pack_format<interleaved>} : vector<32xbf16> -> vector<16xf32>
          %mul3A_661 = arith.mulf %unpack3A_659, %get3A_34 : vector<16xf32>
          %add3A_662 = arith.addf %add3A_609, %mul3A_661 : vector<16xf32>
          %mul3A_663 = arith.mulf %unpack3A_660, %get3A_50 : vector<16xf32>
          %add3A_664 = arith.addf %add3A_611, %mul3A_663 : vector<16xf32>
          %get3A_665 = arith.constant 0 : i32
          %get3A_666 = arith.constant 0 : i32
          %get3A_667 = arith.constant 0 : i32
          %get3A_668 = arith.constant 0 : i32
          %get3A_669 = tpu.memref_slice %arg6[%scan3A_242, %get3A_666, %get3A_667, %get3A_668] : memref<2x4x64x128xi32, #tpu.memory_space<vmem>> -> memref<1x4x64x128xi32, #tpu.memory_space<vmem>>
          %get3A_670 = tpu.memref_squeeze %get3A_669 : memref<1x4x64x128xi32, #tpu.memory_space<vmem>> -> memref<4x64x128xi32, #tpu.memory_space<vmem>>
          %get3A_671 = arith.index_cast %get3A_665 : i32 to index
          %get3A_672 = arith.index_cast %add3A_345 : i32 to index
          %get3A_673 = arith.constant 96 : index
          %get3A_674 = tpu.vector_load %get3A_670[%get3A_671, %get3A_672, %get3A_673] {strides = array<i32>} : memref<4x64x128xi32, #tpu.memory_space<vmem>>, vector<16xi32>,
          %bitcast3A_675 = vector.bitcast %get3A_674 : vector<16xi32> to vector<32xbf16>
          %get3A_676 = arith.constant 1 : i32
          %get3A_677 = arith.constant 0 : i32
          %get3A_678 = arith.constant 0 : i32
          %get3A_679 = arith.constant 0 : i32
          %get3A_680 = tpu.memref_slice %arg6[%scan3A_242, %get3A_677, %get3A_678, %get3A_679] : memref<2x4x64x128xi32, #tpu.memory_space<vmem>> -> memref<1x4x64x128xi32, #tpu.memory_space<vmem>>
          %get3A_681 = tpu.memref_squeeze %get3A_680 : memref<1x4x64x128xi32, #tpu.memory_space<vmem>> -> memref<4x64x128xi32, #tpu.memory_space<vmem>>
          %get3A_682 = arith.index_cast %get3A_676 : i32 to index
          %get3A_683 = arith.index_cast %add3A_345 : i32 to index
          %get3A_684 = arith.constant 96 : index
          %get3A_685 = tpu.vector_load %get3A_681[%get3A_682, %get3A_683, %get3A_684] {strides = array<i32>} : memref<4x64x128xi32, #tpu.memory_space<vmem>>, vector<16xi32>,
          %bitcast3A_686 = vector.bitcast %get3A_685 : vector<16xi32> to vector<32xbf16>
          %get3A_687 = arith.constant 2 : i32
          %get3A_688 = arith.constant 0 : i32
          %get3A_689 = arith.constant 0 : i32
          %get3A_690 = arith.constant 0 : i32
          %get3A_691 = tpu.memref_slice %arg6[%scan3A_242, %get3A_688, %get3A_689, %get3A_690] : memref<2x4x64x128xi32, #tpu.memory_space<vmem>> -> memref<1x4x64x128xi32, #tpu.memory_space<vmem>>
          %get3A_692 = tpu.memref_squeeze %get3A_691 : memref<1x4x64x128xi32, #tpu.memory_space<vmem>> -> memref<4x64x128xi32, #tpu.memory_space<vmem>>
          %get3A_693 = arith.index_cast %get3A_687 : i32 to index
          %get3A_694 = arith.index_cast %add3A_345 : i32 to index
          %get3A_695 = arith.constant 96 : index
          %get3A_696 = tpu.vector_load %get3A_692[%get3A_693, %get3A_694, %get3A_695] {strides = array<i32>} : memref<4x64x128xi32, #tpu.memory_space<vmem>>, vector<16xi32>,
          %bitcast3A_697 = vector.bitcast %get3A_696 : vector<16xi32> to vector<32xbf16>
          %get3A_698 = arith.constant 3 : i32
          %get3A_699 = arith.constant 0 : i32
          %get3A_700 = arith.constant 0 : i32
          %get3A_701 = arith.constant 0 : i32
          %get3A_702 = tpu.memref_slice %arg6[%scan3A_242, %get3A_699, %get3A_700, %get3A_701] : memref<2x4x64x128xi32, #tpu.memory_space<vmem>> -> memref<1x4x64x128xi32, #tpu.memory_space<vmem>>
          %get3A_703 = tpu.memref_squeeze %get3A_702 : memref<1x4x64x128xi32, #tpu.memory_space<vmem>> -> memref<4x64x128xi32, #tpu.memory_space<vmem>>
          %get3A_704 = arith.index_cast %get3A_698 : i32 to index
          %get3A_705 = arith.index_cast %add3A_345 : i32 to index
          %get3A_706 = arith.constant 96 : index
          %get3A_707 = tpu.vector_load %get3A_703[%get3A_704, %get3A_705, %get3A_706] {strides = array<i32>} : memref<4x64x128xi32, #tpu.memory_space<vmem>>, vector<16xi32>,
          %bitcast3A_708 = vector.bitcast %get3A_707 : vector<16xi32> to vector<32xbf16>
          %max3A_709 = arith.maximumf %bitcast3A_675, %bitcast3A_686 : vector<32xbf16>
          %max3A_710 = arith.maximumf %bitcast3A_697, %bitcast3A_708 : vector<32xbf16>
          %max3A_711 = arith.maximumf %max3A_709, %max3A_710 : vector<32xbf16>
          %unpack3A_712 = tpu.unpack_subelements %max3A_711, 0 {pack_format = #tpu.pack_format<interleaved>} : vector<32xbf16> -> vector<16xf32>
          %unpack3A_713 = tpu.unpack_subelements %max3A_711, 1 {pack_format = #tpu.pack_format<interleaved>} : vector<32xbf16> -> vector<16xf32>
          %mul3A_714 = arith.mulf %unpack3A_712, %get3A_36 : vector<16xf32>
          %add3A_715 = arith.addf %add3A_662, %mul3A_714 : vector<16xf32>
          %mul3A_716 = arith.mulf %unpack3A_713, %get3A_52 : vector<16xf32>
          %add3A_717 = arith.addf %add3A_664, %mul3A_716 : vector<16xf32>
          %get3A_718 = arith.constant 0 : i32
          %get3A_719 = arith.constant 0 : i32
          %get3A_720 = arith.constant 0 : i32
          %get3A_721 = arith.constant 0 : i32
          %get3A_722 = tpu.memref_slice %arg6[%scan3A_242, %get3A_719, %get3A_720, %get3A_721] : memref<2x4x64x128xi32, #tpu.memory_space<vmem>> -> memref<1x4x64x128xi32, #tpu.memory_space<vmem>>
          %get3A_723 = tpu.memref_squeeze %get3A_722 : memref<1x4x64x128xi32, #tpu.memory_space<vmem>> -> memref<4x64x128xi32, #tpu.memory_space<vmem>>
          %get3A_724 = arith.index_cast %get3A_718 : i32 to index
          %get3A_725 = arith.index_cast %add3A_345 : i32 to index
          %get3A_726 = arith.constant 112 : index
          %get3A_727 = tpu.vector_load %get3A_723[%get3A_724, %get3A_725, %get3A_726] {strides = array<i32>} : memref<4x64x128xi32, #tpu.memory_space<vmem>>, vector<16xi32>,
          %bitcast3A_728 = vector.bitcast %get3A_727 : vector<16xi32> to vector<32xbf16>
          %get3A_729 = arith.constant 1 : i32
          %get3A_730 = arith.constant 0 : i32
          %get3A_731 = arith.constant 0 : i32
          %get3A_732 = arith.constant 0 : i32
          %get3A_733 = tpu.memref_slice %arg6[%scan3A_242, %get3A_730, %get3A_731, %get3A_732] : memref<2x4x64x128xi32, #tpu.memory_space<vmem>> -> memref<1x4x64x128xi32, #tpu.memory_space<vmem>>
          %get3A_734 = tpu.memref_squeeze %get3A_733 : memref<1x4x64x128xi32, #tpu.memory_space<vmem>> -> memref<4x64x128xi32, #tpu.memory_space<vmem>>
          %get3A_735 = arith.index_cast %get3A_729 : i32 to index
          %get3A_736 = arith.index_cast %add3A_345 : i32 to index
          %get3A_737 = arith.constant 112 : index
          %get3A_738 = tpu.vector_load %get3A_734[%get3A_735, %get3A_736, %get3A_737] {strides = array<i32>} : memref<4x64x128xi32, #tpu.memory_space<vmem>>, vector<16xi32>,
          %bitcast3A_739 = vector.bitcast %get3A_738 : vector<16xi32> to vector<32xbf16>
          %get3A_740 = arith.constant 2 : i32
          %get3A_741 = arith.constant 0 : i32
          %get3A_742 = arith.constant 0 : i32
          %get3A_743 = arith.constant 0 : i32
          %get3A_744 = tpu.memref_slice %arg6[%scan3A_242, %get3A_741, %get3A_742, %get3A_743] : memref<2x4x64x128xi32, #tpu.memory_space<vmem>> -> memref<1x4x64x128xi32, #tpu.memory_space<vmem>>
          %get3A_745 = tpu.memref_squeeze %get3A_744 : memref<1x4x64x128xi32, #tpu.memory_space<vmem>> -> memref<4x64x128xi32, #tpu.memory_space<vmem>>
          %get3A_746 = arith.index_cast %get3A_740 : i32 to index
          %get3A_747 = arith.index_cast %add3A_345 : i32 to index
          %get3A_748 = arith.constant 112 : index
          %get3A_749 = tpu.vector_load %get3A_745[%get3A_746, %get3A_747, %get3A_748] {strides = array<i32>} : memref<4x64x128xi32, #tpu.memory_space<vmem>>, vector<16xi32>,
          %bitcast3A_750 = vector.bitcast %get3A_749 : vector<16xi32> to vector<32xbf16>
          %get3A_751 = arith.constant 3 : i32
          %get3A_752 = arith.constant 0 : i32
          %get3A_753 = arith.constant 0 : i32
          %get3A_754 = arith.constant 0 : i32
          %get3A_755 = tpu.memref_slice %arg6[%scan3A_242, %get3A_752, %get3A_753, %get3A_754] : memref<2x4x64x128xi32, #tpu.memory_space<vmem>> -> memref<1x4x64x128xi32, #tpu.memory_space<vmem>>
          %get3A_756 = tpu.memref_squeeze %get3A_755 : memref<1x4x64x128xi32, #tpu.memory_space<vmem>> -> memref<4x64x128xi32, #tpu.memory_space<vmem>>
          %get3A_757 = arith.index_cast %get3A_751 : i32 to index
          %get3A_758 = arith.index_cast %add3A_345 : i32 to index
          %get3A_759 = arith.constant 112 : index
          %get3A_760 = tpu.vector_load %get3A_756[%get3A_757, %get3A_758, %get3A_759] {strides = array<i32>} : memref<4x64x128xi32, #tpu.memory_space<vmem>>, vector<16xi32>,
          %bitcast3A_761 = vector.bitcast %get3A_760 : vector<16xi32> to vector<32xbf16>
          %max3A_762 = arith.maximumf %bitcast3A_728, %bitcast3A_739 : vector<32xbf16>
          %max3A_763 = arith.maximumf %bitcast3A_750, %bitcast3A_761 : vector<32xbf16>
          %max3A_764 = arith.maximumf %max3A_762, %max3A_763 : vector<32xbf16>
          %unpack3A_765 = tpu.unpack_subelements %max3A_764, 0 {pack_format = #tpu.pack_format<interleaved>} : vector<32xbf16> -> vector<16xf32>
          %unpack3A_766 = tpu.unpack_subelements %max3A_764, 1 {pack_format = #tpu.pack_format<interleaved>} : vector<32xbf16> -> vector<16xf32>
          %mul3A_767 = arith.mulf %unpack3A_765, %get3A_38 : vector<16xf32>
          %add3A_768 = arith.addf %add3A_715, %mul3A_767 : vector<16xf32>
          %mul3A_769 = arith.mulf %unpack3A_766, %get3A_54 : vector<16xf32>
          %add3A_770 = arith.addf %add3A_717, %mul3A_769 : vector<16xf32>
          %add3A_771 = arith.addf %add3A_768, %add3A_770 : vector<16xf32>
          %reduce_sum3A = arith.constant true
          %reduce_sum3A_772 = vector.broadcast %reduce_sum3A : i1 to vector<16xi1>
          %reduce_sum3A_773 = tpu.scan <sum>, %add3A_771 masked %reduce_sum3A_772 : vector<16xf32>, vector<16xi1> -> vector<16xf32>
          %reduce_sum3A_774 = vector.extract %reduce_sum3A_773[15] : f32 from vector<16xf32>
          %add3A_775 = arith.addf %reduce_sum3A_774, %squeeze3A : f32
          %eq3A = vector.broadcast %scan3A_341 : i32 to vector<16xi32>
          %eq3A_776 = arith.cmpi eq, %iota3A, %eq3A : vector<16xi32>
          %broadcast_in_dim3A_777 = vector.broadcast %add3A_775 : f32 to vector<16xf32>
          %select_n3A_778 = arith.select %eq3A_776, %broadcast_in_dim3A_777, %scan3A_342 : vector<16xi1>, vector<16xf32>
          scf.yield %select_n3A_778 : vector<16xf32>
        }
        %scan3A_334 = arith.constant 16 : i32
        %mul3A_335 = arith.constant 64 : i32
        %mul3A_336 = arith.muli %add3A_185, %mul3A_335 : i32
        %mul3A_337 = arith.constant 16 : i32
        %mul3A_338 = arith.muli %scan3A_326, %mul3A_337 : i32
        %add3A_339 = arith.addi %mul3A_336, %mul3A_338 : i32
        %swap3A = arith.index_cast %add3A_339 : i32 to index
        %swap3A_340 = tpu.vector_load %arg9[%swap3A] {strides = array<i32>} : memref<256xf32, #tpu.memory_space<vmem>>, vector<16xf32>,
        tpu.vector_store %arg9[%swap3A], %scan3A_333 {strides = array<i32>} : memref<256xf32, #tpu.memory_space<vmem>>, vector<16xf32>,
      }
      %scan3A_247 = arith.constant 4 : i32
      %add3A_248 = arith.constant 2 : i32
      %add3A_249 = arith.addi %add3A_185, %add3A_248 : i32
      %lt3A = arith.constant 4 : i32
      %lt3A_250 = arith.cmpi slt, %add3A_249, %lt3A : i32
      %convert_element_type3A = arith.extui %lt3A_250 : i1 to i32
      %cond3A = arith.constant 0 : i32
      %cond3A_251 = arith.cmpi ne, %convert_element_type3A, %cond3A : i32
      scf.if %cond3A_251 {
        %add3A_326 = arith.constant 2 : i32
        %add3A_327 = arith.addi %add3A_185, %add3A_326 : i32
        %mul3A_328 = arith.constant 64 : i32
        %mul3A_329 = arith.muli %add3A_327, %mul3A_328 : i32
        %dma_start3A_330 = arith.constant 0 : i32
        %dma_start3A_331 = arith.constant 0 : i32
        %dma_start3A_332 = arith.constant 0 : i32
        %dma_start3A_333 = arith.constant 0 : i32
        %dma_start3A_334 = arith.constant 0 : i32
        %dma_start3A_335 = tpu.memref_slice %arg6[%dma_start3A_331, %dma_start3A_332, %dma_start3A_333, %dma_start3A_334] : memref<2x4x64x128xi32, #tpu.memory_space<vmem>> -> memref<1x1x64x128xi32, #tpu.memory_space<vmem>>
        %dma_start3A_336 = tpu.memref_squeeze %dma_start3A_335 : memref<1x1x64x128xi32, #tpu.memory_space<vmem>> -> memref<64x128xi32, #tpu.memory_space<vmem>>
        %dma_start3A_337 = tpu.memref_slice %arg7[%dma_start3A_330, %mul3A_329] : memref<4x256xi32, #tpu.memory_space<vmem>> -> memref<1x64xi32, #tpu.memory_space<vmem>>
        %dma_start3A_338 = tpu.memref_squeeze %dma_start3A_337 : memref<1x64xi32, #tpu.memory_space<vmem>> -> memref<64xi32, #tpu.memory_space<vmem>>
        %dma_start3A_339 = arith.constant 0 : i32
        %dma_start3A_340 = arith.constant 0 : i32
        %dma_start3A_341 = tpu.memref_slice %arg2[%dma_start3A_339, %dma_start3A_340] : memref<8192x128xi32, #tpu.memory_space<hbm>> -> memref<8192x128xi32, #tpu.memory_space<hbm>>
        tpu.enqueue_indirect_dma source(%dma_start3A_341 : memref<8192x128xi32, #tpu.memory_space<hbm>>) target(%dma_start3A_336 : memref<64x128xi32, #tpu.memory_space<vmem>>) offsets(%dma_start3A_338 : memref<64xi32, #tpu.memory_space<vmem>>) semaphore(%arg10 : memref<!tpu.dma_semaphore, #tpu.memory_space<semaphore_mem>>)
        %mul3A_342 = arith.constant 64 : i32
        %mul3A_343 = arith.muli %add3A_327, %mul3A_342 : i32
        %dma_start3A_344 = arith.constant 1 : i32
        %dma_start3A_345 = arith.constant 0 : i32
        %dma_start3A_346 = arith.constant 1 : i32
        %dma_start3A_347 = arith.constant 0 : i32
        %dma_start3A_348 = arith.constant 0 : i32
        %dma_start3A_349 = tpu.memref_slice %arg6[%dma_start3A_345, %dma_start3A_346, %dma_start3A_347, %dma_start3A_348] : memref<2x4x64x128xi32, #tpu.memory_space<vmem>> -> memref<1x1x64x128xi32, #tpu.memory_space<vmem>>
        %dma_start3A_350 = tpu.memref_squeeze %dma_start3A_349 : memref<1x1x64x128xi32, #tpu.memory_space<vmem>> -> memref<64x128xi32, #tpu.memory_space<vmem>>
        %dma_start3A_351 = tpu.memref_slice %arg7[%dma_start3A_344, %mul3A_343] : memref<4x256xi32, #tpu.memory_space<vmem>> -> memref<1x64xi32, #tpu.memory_space<vmem>>
        %dma_start3A_352 = tpu.memref_squeeze %dma_start3A_351 : memref<1x64xi32, #tpu.memory_space<vmem>> -> memref<64xi32, #tpu.memory_space<vmem>>
        %dma_start3A_353 = arith.constant 0 : i32
        %dma_start3A_354 = arith.constant 0 : i32
        %dma_start3A_355 = tpu.memref_slice %arg2[%dma_start3A_353, %dma_start3A_354] : memref<8192x128xi32, #tpu.memory_space<hbm>> -> memref<8192x128xi32, #tpu.memory_space<hbm>>
        tpu.enqueue_indirect_dma source(%dma_start3A_355 : memref<8192x128xi32, #tpu.memory_space<hbm>>) target(%dma_start3A_350 : memref<64x128xi32, #tpu.memory_space<vmem>>) offsets(%dma_start3A_352 : memref<64xi32, #tpu.memory_space<vmem>>) semaphore(%arg10 : memref<!tpu.dma_semaphore, #tpu.memory_space<semaphore_mem>>)
        %mul3A_356 = arith.constant 64 : i32
        %mul3A_357 = arith.muli %add3A_327, %mul3A_356 : i32
        %dma_start3A_358 = arith.constant 2 : i32
        %dma_start3A_359 = arith.constant 0 : i32
        %dma_start3A_360 = arith.constant 2 : i32
        %dma_start3A_361 = arith.constant 0 : i32
        %dma_start3A_362 = arith.constant 0 : i32
        %dma_start3A_363 = tpu.memref_slice %arg6[%dma_start3A_359, %dma_start3A_360, %dma_start3A_361, %dma_start3A_362] : memref<2x4x64x128xi32, #tpu.memory_space<vmem>> -> memref<1x1x64x128xi32, #tpu.memory_space<vmem>>
        %dma_start3A_364 = tpu.memref_squeeze %dma_start3A_363 : memref<1x1x64x128xi32, #tpu.memory_space<vmem>> -> memref<64x128xi32, #tpu.memory_space<vmem>>
        %dma_start3A_365 = tpu.memref_slice %arg7[%dma_start3A_358, %mul3A_357] : memref<4x256xi32, #tpu.memory_space<vmem>> -> memref<1x64xi32, #tpu.memory_space<vmem>>
        %dma_start3A_366 = tpu.memref_squeeze %dma_start3A_365 : memref<1x64xi32, #tpu.memory_space<vmem>> -> memref<64xi32, #tpu.memory_space<vmem>>
        %dma_start3A_367 = arith.constant 0 : i32
        %dma_start3A_368 = arith.constant 0 : i32
        %dma_start3A_369 = tpu.memref_slice %arg2[%dma_start3A_367, %dma_start3A_368] : memref<8192x128xi32, #tpu.memory_space<hbm>> -> memref<8192x128xi32, #tpu.memory_space<hbm>>
        tpu.enqueue_indirect_dma source(%dma_start3A_369 : memref<8192x128xi32, #tpu.memory_space<hbm>>) target(%dma_start3A_364 : memref<64x128xi32, #tpu.memory_space<vmem>>) offsets(%dma_start3A_366 : memref<64xi32, #tpu.memory_space<vmem>>) semaphore(%arg10 : memref<!tpu.dma_semaphore, #tpu.memory_space<semaphore_mem>>)
        %mul3A_370 = arith.constant 64 : i32
        %mul3A_371 = arith.muli %add3A_327, %mul3A_370 : i32
        %dma_start3A_372 = arith.constant 3 : i32
        %dma_start3A_373 = arith.constant 0 : i32
        %dma_start3A_374 = arith.constant 3 : i32
        %dma_start3A_375 = arith.constant 0 : i32
        %dma_start3A_376 = arith.constant 0 : i32
        %dma_start3A_377 = tpu.memref_slice %arg6[%dma_start3A_373, %dma_start3A_374, %dma_start3A_375, %dma_start3A_376] : memref<2x4x64x128xi32, #tpu.memory_space<vmem>> -> memref<1x1x64x128xi32, #tpu.memory_space<vmem>>
        %dma_start3A_378 = tpu.memref_squeeze %dma_start3A_377 : memref<1x1x64x128xi32, #tpu.memory_space<vmem>> -> memref<64x128xi32, #tpu.memory_space<vmem>>
        %dma_start3A_379 = tpu.memref_slice %arg7[%dma_start3A_372, %mul3A_371] : memref<4x256xi32, #tpu.memory_space<vmem>> -> memref<1x64xi32, #tpu.memory_space<vmem>>
        %dma_start3A_380 = tpu.memref_squeeze %dma_start3A_379 : memref<1x64xi32, #tpu.memory_space<vmem>> -> memref<64xi32, #tpu.memory_space<vmem>>
        %dma_start3A_381 = arith.constant 0 : i32
        %dma_start3A_382 = arith.constant 0 : i32
        %dma_start3A_383 = tpu.memref_slice %arg2[%dma_start3A_381, %dma_start3A_382] : memref<8192x128xi32, #tpu.memory_space<hbm>> -> memref<8192x128xi32, #tpu.memory_space<hbm>>
        tpu.enqueue_indirect_dma source(%dma_start3A_383 : memref<8192x128xi32, #tpu.memory_space<hbm>>) target(%dma_start3A_378 : memref<64x128xi32, #tpu.memory_space<vmem>>) offsets(%dma_start3A_380 : memref<64xi32, #tpu.memory_space<vmem>>) semaphore(%arg10 : memref<!tpu.dma_semaphore, #tpu.memory_space<semaphore_mem>>)
      } else {
      }
      %mul3A_252 = arith.constant 2 : i32
      %mul3A_253 = arith.muli %scan3A_181, %mul3A_252 : i32
      %add3A_254 = arith.constant 1 : i32
      %add3A_255 = arith.addi %mul3A_253, %add3A_254 : i32
      %mul3A_256 = arith.constant 64 : i32
      %mul3A_257 = arith.muli %add3A_255, %mul3A_256 : i32
      %dma_wait3A_258 = arith.constant 0 : i32
      %dma_wait3A_259 = arith.constant 1 : i32
      %dma_wait3A_260 = arith.constant 0 : i32
      %dma_wait3A_261 = arith.constant 0 : i32
      %dma_wait3A_262 = arith.constant 0 : i32
      %dma_wait3A_263 = tpu.memref_slice %arg6[%dma_wait3A_259, %dma_wait3A_260, %dma_wait3A_261, %dma_wait3A_262] : memref<2x4x64x128xi32, #tpu.memory_space<vmem>> -> memref<1x1x64x128xi32, #tpu.memory_space<vmem>>
      %dma_wait3A_264 = tpu.memref_squeeze %dma_wait3A_263 : memref<1x1x64x128xi32, #tpu.memory_space<vmem>> -> memref<64x128xi32, #tpu.memory_space<vmem>>
      %dma_wait3A_265 = tpu.memref_slice %arg7[%dma_wait3A_258, %mul3A_257] : memref<4x256xi32, #tpu.memory_space<vmem>> -> memref<1x64xi32, #tpu.memory_space<vmem>>
      %dma_wait3A_266 = tpu.memref_squeeze %dma_wait3A_265 : memref<1x64xi32, #tpu.memory_space<vmem>> -> memref<64xi32, #tpu.memory_space<vmem>>
      %dma_wait3A_267 = arith.constant 0 : i32
      %dma_wait3A_268 = arith.constant 0 : i32
      %dma_wait3A_269 = tpu.memref_slice %arg2[%dma_wait3A_267, %dma_wait3A_268] : memref<8192x128xi32, #tpu.memory_space<hbm>> -> memref<8192x128xi32, #tpu.memory_space<hbm>>
      tpu.wait_indirect_dma semaphore(%arg11 : memref<!tpu.dma_semaphore, #tpu.memory_space<semaphore_mem>>) src(%dma_wait3A_269 : memref<8192x128xi32, #tpu.memory_space<hbm>>) dst(%dma_wait3A_264 : memref<64x128xi32, #tpu.memory_space<vmem>>)
      %mul3A_270 = arith.constant 64 : i32
      %mul3A_271 = arith.muli %add3A_255, %mul3A_270 : i32
      %dma_wait3A_272 = arith.constant 1 : i32
      %dma_wait3A_273 = arith.constant 1 : i32
      %dma_wait3A_274 = arith.constant 1 : i32
      %dma_wait3A_275 = arith.constant 0 : i32
      %dma_wait3A_276 = arith.constant 0 : i32
      %dma_wait3A_277 = tpu.memref_slice %arg6[%dma_wait3A_273, %dma_wait3A_274, %dma_wait3A_275, %dma_wait3A_276] : memref<2x4x64x128xi32, #tpu.memory_space<vmem>> -> memref<1x1x64x128xi32, #tpu.memory_space<vmem>>
      %dma_wait3A_278 = tpu.memref_squeeze %dma_wait3A_277 : memref<1x1x64x128xi32, #tpu.memory_space<vmem>> -> memref<64x128xi32, #tpu.memory_space<vmem>>
      %dma_wait3A_279 = tpu.memref_slice %arg7[%dma_wait3A_272, %mul3A_271] : memref<4x256xi32, #tpu.memory_space<vmem>> -> memref<1x64xi32, #tpu.memory_space<vmem>>
      %dma_wait3A_280 = tpu.memref_squeeze %dma_wait3A_279 : memref<1x64xi32, #tpu.memory_space<vmem>> -> memref<64xi32, #tpu.memory_space<vmem>>
      %dma_wait3A_281 = arith.constant 0 : i32
      %dma_wait3A_282 = arith.constant 0 : i32
      %dma_wait3A_283 = tpu.memref_slice %arg2[%dma_wait3A_281, %dma_wait3A_282] : memref<8192x128xi32, #tpu.memory_space<hbm>> -> memref<8192x128xi32, #tpu.memory_space<hbm>>
      tpu.wait_indirect_dma semaphore(%arg11 : memref<!tpu.dma_semaphore, #tpu.memory_space<semaphore_mem>>) src(%dma_wait3A_283 : memref<8192x128xi32, #tpu.memory_space<hbm>>) dst(%dma_wait3A_278 : memref<64x128xi32, #tpu.memory_space<vmem>>)
      %mul3A_284 = arith.constant 64 : i32
      %mul3A_285 = arith.muli %add3A_255, %mul3A_284 : i32
      %dma_wait3A_286 = arith.constant 2 : i32
      %dma_wait3A_287 = arith.constant 1 : i32
      %dma_wait3A_288 = arith.constant 2 : i32
      %dma_wait3A_289 = arith.constant 0 : i32
      %dma_wait3A_290 = arith.constant 0 : i32
      %dma_wait3A_291 = tpu.memref_slice %arg6[%dma_wait3A_287, %dma_wait3A_288, %dma_wait3A_289, %dma_wait3A_290] : memref<2x4x64x128xi32, #tpu.memory_space<vmem>> -> memref<1x1x64x128xi32, #tpu.memory_space<vmem>>
      %dma_wait3A_292 = tpu.memref_squeeze %dma_wait3A_291 : memref<1x1x64x128xi32, #tpu.memory_space<vmem>> -> memref<64x128xi32, #tpu.memory_space<vmem>>
      %dma_wait3A_293 = tpu.memref_slice %arg7[%dma_wait3A_286, %mul3A_285] : memref<4x256xi32, #tpu.memory_space<vmem>> -> memref<1x64xi32, #tpu.memory_space<vmem>>
      %dma_wait3A_294 = tpu.memref_squeeze %dma_wait3A_293 : memref<1x64xi32, #tpu.memory_space<vmem>> -> memref<64xi32, #tpu.memory_space<vmem>>
      %dma_wait3A_295 = arith.constant 0 : i32
      %dma_wait3A_296 = arith.constant 0 : i32
      %dma_wait3A_297 = tpu.memref_slice %arg2[%dma_wait3A_295, %dma_wait3A_296] : memref<8192x128xi32, #tpu.memory_space<hbm>> -> memref<8192x128xi32, #tpu.memory_space<hbm>>
      tpu.wait_indirect_dma semaphore(%arg11 : memref<!tpu.dma_semaphore, #tpu.memory_space<semaphore_mem>>) src(%dma_wait3A_297 : memref<8192x128xi32, #tpu.memory_space<hbm>>) dst(%dma_wait3A_292 : memref<64x128xi32, #tpu.memory_space<vmem>>)
      %mul3A_298 = arith.constant 64 : i32
      %mul3A_299 = arith.muli %add3A_255, %mul3A_298 : i32
      %dma_wait3A_300 = arith.constant 3 : i32
      %dma_wait3A_301 = arith.constant 1 : i32
      %dma_wait3A_302 = arith.constant 3 : i32
      %dma_wait3A_303 = arith.constant 0 : i32
      %dma_wait3A_304 = arith.constant 0 : i32
      %dma_wait3A_305 = tpu.memref_slice %arg6[%dma_wait3A_301, %dma_wait3A_302, %dma_wait3A_303, %dma_wait3A_304] : memref<2x4x64x128xi32, #tpu.memory_space<vmem>> -> memref<1x1x64x128xi32, #tpu.memory_space<vmem>>
      %dma_wait3A_306 = tpu.memref_squeeze %dma_wait3A_305 : memref<1x1x64x128xi32, #tpu.memory_space<vmem>> -> memref<64x128xi32, #tpu.memory_space<vmem>>
      %dma_wait3A_307 = tpu.memref_slice %arg7[%dma_wait3A_300, %mul3A_299] : memref<4x256xi32, #tpu.memory_space<vmem>> -> memref<1x64xi32, #tpu.memory_space<vmem>>
      %dma_wait3A_308 = tpu.memref_squeeze %dma_wait3A_307 : memref<1x64xi32, #tpu.memory_space<vmem>> -> memref<64xi32, #tpu.memory_space<vmem>>
      %dma_wait3A_309 = arith.constant 0 : i32
      %dma_wait3A_310 = arith.constant 0 : i32
      %dma_wait3A_311 = tpu.memref_slice %arg2[%dma_wait3A_309, %dma_wait3A_310] : memref<8192x128xi32, #tpu.memory_space<hbm>> -> memref<8192x128xi32, #tpu.memory_space<hbm>>
      tpu.wait_indirect_dma semaphore(%arg11 : memref<!tpu.dma_semaphore, #tpu.memory_space<semaphore_mem>>) src(%dma_wait3A_311 : memref<8192x128xi32, #tpu.memory_space<hbm>>) dst(%dma_wait3A_306 : memref<64x128xi32, #tpu.memory_space<vmem>>)
      %scan3A_312 = arith.constant 0 : i32
      %scan3A_313 = arith.constant 1 : i32
      %scan3A_314 = arith.constant 0 : i32
      %scan3A_315 = arith.constant 4 : i32
      %scan3A_316 = arith.addi %scan3A_314, %scan3A_315 : i32
      %scan3A_317 = arith.constant 1 : i32
      scf.for %scan3A_326 = %scan3A_314 to %scan3A_316 step %scan3A_317  : i32 {
        %broadcast_in_dim3A_327 = arith.constant 0.000000e+00 : f32
        %broadcast_in_dim3A_328 = vector.broadcast %broadcast_in_dim3A_327 : f32 to vector<16xf32>
        %scan3A_329 = arith.constant 0 : i32
        %scan3A_330 = arith.constant 16 : i32
        %scan3A_331 = arith.addi %scan3A_329, %scan3A_330 : i32
        %scan3A_332 = arith.constant 1 : i32
        %scan3A_333 = scf.for %scan3A_341 = %scan3A_329 to %scan3A_331 step %scan3A_332 iter_args(%scan3A_342 = %broadcast_in_dim3A_328) -> (vector<16xf32>)  : i32 {
          %mul3A_343 = arith.constant 16 : i32
          %mul3A_344 = arith.muli %scan3A_326, %mul3A_343 : i32
          %add3A_345 = arith.addi %mul3A_344, %scan3A_341 : i32
          %broadcast_in_dim3A_346 = arith.constant 0.000000e+00 : f32
          %broadcast_in_dim3A_347 = vector.broadcast %broadcast_in_dim3A_346 : f32 to vector<16xf32>
          %broadcast_in_dim3A_348 = arith.constant 0.000000e+00 : f32
          %broadcast_in_dim3A_349 = vector.broadcast %broadcast_in_dim3A_348 : f32 to vector<16xf32>
          %get3A_350 = arith.constant 0 : i32
          %get3A_351 = arith.constant 0 : i32
          %get3A_352 = arith.constant 0 : i32
          %get3A_353 = arith.constant 0 : i32
          %get3A_354 = tpu.memref_slice %arg6[%scan3A_313, %get3A_351, %get3A_352, %get3A_353] : memref<2x4x64x128xi32, #tpu.memory_space<vmem>> -> memref<1x4x64x128xi32, #tpu.memory_space<vmem>>
          %get3A_355 = tpu.memref_squeeze %get3A_354 : memref<1x4x64x128xi32, #tpu.memory_space<vmem>> -> memref<4x64x128xi32, #tpu.memory_space<vmem>>
          %get3A_356 = arith.index_cast %get3A_350 : i32 to index
          %get3A_357 = arith.index_cast %add3A_345 : i32 to index
          %get3A_358 = arith.constant 0 : index
          %get3A_359 = tpu.vector_load %get3A_355[%get3A_356, %get3A_357, %get3A_358] {strides = array<i32>} : memref<4x64x128xi32, #tpu.memory_space<vmem>>, vector<16xi32>,
          %bitcast3A = vector.bitcast %get3A_359 : vector<16xi32> to vector<32xbf16>
          %get3A_360 = arith.constant 1 : i32
          %get3A_361 = arith.constant 0 : i32
          %get3A_362 = arith.constant 0 : i32
          %get3A_363 = arith.constant 0 : i32
          %get3A_364 = tpu.memref_slice %arg6[%scan3A_313, %get3A_361, %get3A_362, %get3A_363] : memref<2x4x64x128xi32, #tpu.memory_space<vmem>> -> memref<1x4x64x128xi32, #tpu.memory_space<vmem>>
          %get3A_365 = tpu.memref_squeeze %get3A_364 : memref<1x4x64x128xi32, #tpu.memory_space<vmem>> -> memref<4x64x128xi32, #tpu.memory_space<vmem>>
          %get3A_366 = arith.index_cast %get3A_360 : i32 to index
          %get3A_367 = arith.index_cast %add3A_345 : i32 to index
          %get3A_368 = arith.constant 0 : index
          %get3A_369 = tpu.vector_load %get3A_365[%get3A_366, %get3A_367, %get3A_368] {strides = array<i32>} : memref<4x64x128xi32, #tpu.memory_space<vmem>>, vector<16xi32>,
          %bitcast3A_370 = vector.bitcast %get3A_369 : vector<16xi32> to vector<32xbf16>
          %get3A_371 = arith.constant 2 : i32
          %get3A_372 = arith.constant 0 : i32
          %get3A_373 = arith.constant 0 : i32
          %get3A_374 = arith.constant 0 : i32
          %get3A_375 = tpu.memref_slice %arg6[%scan3A_313, %get3A_372, %get3A_373, %get3A_374] : memref<2x4x64x128xi32, #tpu.memory_space<vmem>> -> memref<1x4x64x128xi32, #tpu.memory_space<vmem>>
          %get3A_376 = tpu.memref_squeeze %get3A_375 : memref<1x4x64x128xi32, #tpu.memory_space<vmem>> -> memref<4x64x128xi32, #tpu.memory_space<vmem>>
          %get3A_377 = arith.index_cast %get3A_371 : i32 to index
          %get3A_378 = arith.index_cast %add3A_345 : i32 to index
          %get3A_379 = arith.constant 0 : index
          %get3A_380 = tpu.vector_load %get3A_376[%get3A_377, %get3A_378, %get3A_379] {strides = array<i32>} : memref<4x64x128xi32, #tpu.memory_space<vmem>>, vector<16xi32>,
          %bitcast3A_381 = vector.bitcast %get3A_380 : vector<16xi32> to vector<32xbf16>
          %get3A_382 = arith.constant 3 : i32
          %get3A_383 = arith.constant 0 : i32
          %get3A_384 = arith.constant 0 : i32
          %get3A_385 = arith.constant 0 : i32
          %get3A_386 = tpu.memref_slice %arg6[%scan3A_313, %get3A_383, %get3A_384, %get3A_385] : memref<2x4x64x128xi32, #tpu.memory_space<vmem>> -> memref<1x4x64x128xi32, #tpu.memory_space<vmem>>
          %get3A_387 = tpu.memref_squeeze %get3A_386 : memref<1x4x64x128xi32, #tpu.memory_space<vmem>> -> memref<4x64x128xi32, #tpu.memory_space<vmem>>
          %get3A_388 = arith.index_cast %get3A_382 : i32 to index
          %get3A_389 = arith.index_cast %add3A_345 : i32 to index
          %get3A_390 = arith.constant 0 : index
          %get3A_391 = tpu.vector_load %get3A_387[%get3A_388, %get3A_389, %get3A_390] {strides = array<i32>} : memref<4x64x128xi32, #tpu.memory_space<vmem>>, vector<16xi32>,
          %bitcast3A_392 = vector.bitcast %get3A_391 : vector<16xi32> to vector<32xbf16>
          %max3A = arith.maximumf %bitcast3A, %bitcast3A_370 : vector<32xbf16>
          %max3A_393 = arith.maximumf %bitcast3A_381, %bitcast3A_392 : vector<32xbf16>
          %max3A_394 = arith.maximumf %max3A, %max3A_393 : vector<32xbf16>
          %unpack3A = tpu.unpack_subelements %max3A_394, 0 {pack_format = #tpu.pack_format<interleaved>} : vector<32xbf16> -> vector<16xf32>
          %unpack3A_395 = tpu.unpack_subelements %max3A_394, 1 {pack_format = #tpu.pack_format<interleaved>} : vector<32xbf16> -> vector<16xf32>
          %mul3A_396 = arith.mulf %unpack3A, %get3A_24 : vector<16xf32>
          %add3A_397 = arith.addf %broadcast_in_dim3A_347, %mul3A_396 : vector<16xf32>
          %mul3A_398 = arith.mulf %unpack3A_395, %get3A_40 : vector<16xf32>
          %add3A_399 = arith.addf %broadcast_in_dim3A_349, %mul3A_398 : vector<16xf32>
          %get3A_400 = arith.constant 0 : i32
          %get3A_401 = arith.constant 0 : i32
          %get3A_402 = arith.constant 0 : i32
          %get3A_403 = arith.constant 0 : i32
          %get3A_404 = tpu.memref_slice %arg6[%scan3A_313, %get3A_401, %get3A_402, %get3A_403] : memref<2x4x64x128xi32, #tpu.memory_space<vmem>> -> memref<1x4x64x128xi32, #tpu.memory_space<vmem>>
          %get3A_405 = tpu.memref_squeeze %get3A_404 : memref<1x4x64x128xi32, #tpu.memory_space<vmem>> -> memref<4x64x128xi32, #tpu.memory_space<vmem>>
          %get3A_406 = arith.index_cast %get3A_400 : i32 to index
          %get3A_407 = arith.index_cast %add3A_345 : i32 to index
          %get3A_408 = arith.constant 16 : index
          %get3A_409 = tpu.vector_load %get3A_405[%get3A_406, %get3A_407, %get3A_408] {strides = array<i32>} : memref<4x64x128xi32, #tpu.memory_space<vmem>>, vector<16xi32>,
          %bitcast3A_410 = vector.bitcast %get3A_409 : vector<16xi32> to vector<32xbf16>
          %get3A_411 = arith.constant 1 : i32
          %get3A_412 = arith.constant 0 : i32
          %get3A_413 = arith.constant 0 : i32
          %get3A_414 = arith.constant 0 : i32
          %get3A_415 = tpu.memref_slice %arg6[%scan3A_313, %get3A_412, %get3A_413, %get3A_414] : memref<2x4x64x128xi32, #tpu.memory_space<vmem>> -> memref<1x4x64x128xi32, #tpu.memory_space<vmem>>
          %get3A_416 = tpu.memref_squeeze %get3A_415 : memref<1x4x64x128xi32, #tpu.memory_space<vmem>> -> memref<4x64x128xi32, #tpu.memory_space<vmem>>
          %get3A_417 = arith.index_cast %get3A_411 : i32 to index
          %get3A_418 = arith.index_cast %add3A_345 : i32 to index
          %get3A_419 = arith.constant 16 : index
          %get3A_420 = tpu.vector_load %get3A_416[%get3A_417, %get3A_418, %get3A_419] {strides = array<i32>} : memref<4x64x128xi32, #tpu.memory_space<vmem>>, vector<16xi32>,
          %bitcast3A_421 = vector.bitcast %get3A_420 : vector<16xi32> to vector<32xbf16>
          %get3A_422 = arith.constant 2 : i32
          %get3A_423 = arith.constant 0 : i32
          %get3A_424 = arith.constant 0 : i32
          %get3A_425 = arith.constant 0 : i32
          %get3A_426 = tpu.memref_slice %arg6[%scan3A_313, %get3A_423, %get3A_424, %get3A_425] : memref<2x4x64x128xi32, #tpu.memory_space<vmem>> -> memref<1x4x64x128xi32, #tpu.memory_space<vmem>>
          %get3A_427 = tpu.memref_squeeze %get3A_426 : memref<1x4x64x128xi32, #tpu.memory_space<vmem>> -> memref<4x64x128xi32, #tpu.memory_space<vmem>>
          %get3A_428 = arith.index_cast %get3A_422 : i32 to index
          %get3A_429 = arith.index_cast %add3A_345 : i32 to index
          %get3A_430 = arith.constant 16 : index
          %get3A_431 = tpu.vector_load %get3A_427[%get3A_428, %get3A_429, %get3A_430] {strides = array<i32>} : memref<4x64x128xi32, #tpu.memory_space<vmem>>, vector<16xi32>,
          %bitcast3A_432 = vector.bitcast %get3A_431 : vector<16xi32> to vector<32xbf16>
          %get3A_433 = arith.constant 3 : i32
          %get3A_434 = arith.constant 0 : i32
          %get3A_435 = arith.constant 0 : i32
          %get3A_436 = arith.constant 0 : i32
          %get3A_437 = tpu.memref_slice %arg6[%scan3A_313, %get3A_434, %get3A_435, %get3A_436] : memref<2x4x64x128xi32, #tpu.memory_space<vmem>> -> memref<1x4x64x128xi32, #tpu.memory_space<vmem>>
          %get3A_438 = tpu.memref_squeeze %get3A_437 : memref<1x4x64x128xi32, #tpu.memory_space<vmem>> -> memref<4x64x128xi32, #tpu.memory_space<vmem>>
          %get3A_439 = arith.index_cast %get3A_433 : i32 to index
          %get3A_440 = arith.index_cast %add3A_345 : i32 to index
          %get3A_441 = arith.constant 16 : index
          %get3A_442 = tpu.vector_load %get3A_438[%get3A_439, %get3A_440, %get3A_441] {strides = array<i32>} : memref<4x64x128xi32, #tpu.memory_space<vmem>>, vector<16xi32>,
          %bitcast3A_443 = vector.bitcast %get3A_442 : vector<16xi32> to vector<32xbf16>
          %max3A_444 = arith.maximumf %bitcast3A_410, %bitcast3A_421 : vector<32xbf16>
          %max3A_445 = arith.maximumf %bitcast3A_432, %bitcast3A_443 : vector<32xbf16>
          %max3A_446 = arith.maximumf %max3A_444, %max3A_445 : vector<32xbf16>
          %unpack3A_447 = tpu.unpack_subelements %max3A_446, 0 {pack_format = #tpu.pack_format<interleaved>} : vector<32xbf16> -> vector<16xf32>
          %unpack3A_448 = tpu.unpack_subelements %max3A_446, 1 {pack_format = #tpu.pack_format<interleaved>} : vector<32xbf16> -> vector<16xf32>
          %mul3A_449 = arith.mulf %unpack3A_447, %get3A_26 : vector<16xf32>
          %add3A_450 = arith.addf %add3A_397, %mul3A_449 : vector<16xf32>
          %mul3A_451 = arith.mulf %unpack3A_448, %get3A_42 : vector<16xf32>
          %add3A_452 = arith.addf %add3A_399, %mul3A_451 : vector<16xf32>
          %get3A_453 = arith.constant 0 : i32
          %get3A_454 = arith.constant 0 : i32
          %get3A_455 = arith.constant 0 : i32
          %get3A_456 = arith.constant 0 : i32
          %get3A_457 = tpu.memref_slice %arg6[%scan3A_313, %get3A_454, %get3A_455, %get3A_456] : memref<2x4x64x128xi32, #tpu.memory_space<vmem>> -> memref<1x4x64x128xi32, #tpu.memory_space<vmem>>
          %get3A_458 = tpu.memref_squeeze %get3A_457 : memref<1x4x64x128xi32, #tpu.memory_space<vmem>> -> memref<4x64x128xi32, #tpu.memory_space<vmem>>
          %get3A_459 = arith.index_cast %get3A_453 : i32 to index
          %get3A_460 = arith.index_cast %add3A_345 : i32 to index
          %get3A_461 = arith.constant 32 : index
          %get3A_462 = tpu.vector_load %get3A_458[%get3A_459, %get3A_460, %get3A_461] {strides = array<i32>} : memref<4x64x128xi32, #tpu.memory_space<vmem>>, vector<16xi32>,
          %bitcast3A_463 = vector.bitcast %get3A_462 : vector<16xi32> to vector<32xbf16>
          %get3A_464 = arith.constant 1 : i32
          %get3A_465 = arith.constant 0 : i32
          %get3A_466 = arith.constant 0 : i32
          %get3A_467 = arith.constant 0 : i32
          %get3A_468 = tpu.memref_slice %arg6[%scan3A_313, %get3A_465, %get3A_466, %get3A_467] : memref<2x4x64x128xi32, #tpu.memory_space<vmem>> -> memref<1x4x64x128xi32, #tpu.memory_space<vmem>>
          %get3A_469 = tpu.memref_squeeze %get3A_468 : memref<1x4x64x128xi32, #tpu.memory_space<vmem>> -> memref<4x64x128xi32, #tpu.memory_space<vmem>>
          %get3A_470 = arith.index_cast %get3A_464 : i32 to index
          %get3A_471 = arith.index_cast %add3A_345 : i32 to index
          %get3A_472 = arith.constant 32 : index
          %get3A_473 = tpu.vector_load %get3A_469[%get3A_470, %get3A_471, %get3A_472] {strides = array<i32>} : memref<4x64x128xi32, #tpu.memory_space<vmem>>, vector<16xi32>,
          %bitcast3A_474 = vector.bitcast %get3A_473 : vector<16xi32> to vector<32xbf16>
          %get3A_475 = arith.constant 2 : i32
          %get3A_476 = arith.constant 0 : i32
          %get3A_477 = arith.constant 0 : i32
          %get3A_478 = arith.constant 0 : i32
          %get3A_479 = tpu.memref_slice %arg6[%scan3A_313, %get3A_476, %get3A_477, %get3A_478] : memref<2x4x64x128xi32, #tpu.memory_space<vmem>> -> memref<1x4x64x128xi32, #tpu.memory_space<vmem>>
          %get3A_480 = tpu.memref_squeeze %get3A_479 : memref<1x4x64x128xi32, #tpu.memory_space<vmem>> -> memref<4x64x128xi32, #tpu.memory_space<vmem>>
          %get3A_481 = arith.index_cast %get3A_475 : i32 to index
          %get3A_482 = arith.index_cast %add3A_345 : i32 to index
          %get3A_483 = arith.constant 32 : index
          %get3A_484 = tpu.vector_load %get3A_480[%get3A_481, %get3A_482, %get3A_483] {strides = array<i32>} : memref<4x64x128xi32, #tpu.memory_space<vmem>>, vector<16xi32>,
          %bitcast3A_485 = vector.bitcast %get3A_484 : vector<16xi32> to vector<32xbf16>
          %get3A_486 = arith.constant 3 : i32
          %get3A_487 = arith.constant 0 : i32
          %get3A_488 = arith.constant 0 : i32
          %get3A_489 = arith.constant 0 : i32
          %get3A_490 = tpu.memref_slice %arg6[%scan3A_313, %get3A_487, %get3A_488, %get3A_489] : memref<2x4x64x128xi32, #tpu.memory_space<vmem>> -> memref<1x4x64x128xi32, #tpu.memory_space<vmem>>
          %get3A_491 = tpu.memref_squeeze %get3A_490 : memref<1x4x64x128xi32, #tpu.memory_space<vmem>> -> memref<4x64x128xi32, #tpu.memory_space<vmem>>
          %get3A_492 = arith.index_cast %get3A_486 : i32 to index
          %get3A_493 = arith.index_cast %add3A_345 : i32 to index
          %get3A_494 = arith.constant 32 : index
          %get3A_495 = tpu.vector_load %get3A_491[%get3A_492, %get3A_493, %get3A_494] {strides = array<i32>} : memref<4x64x128xi32, #tpu.memory_space<vmem>>, vector<16xi32>,
          %bitcast3A_496 = vector.bitcast %get3A_495 : vector<16xi32> to vector<32xbf16>
          %max3A_497 = arith.maximumf %bitcast3A_463, %bitcast3A_474 : vector<32xbf16>
          %max3A_498 = arith.maximumf %bitcast3A_485, %bitcast3A_496 : vector<32xbf16>
          %max3A_499 = arith.maximumf %max3A_497, %max3A_498 : vector<32xbf16>
          %unpack3A_500 = tpu.unpack_subelements %max3A_499, 0 {pack_format = #tpu.pack_format<interleaved>} : vector<32xbf16> -> vector<16xf32>
          %unpack3A_501 = tpu.unpack_subelements %max3A_499, 1 {pack_format = #tpu.pack_format<interleaved>} : vector<32xbf16> -> vector<16xf32>
          %mul3A_502 = arith.mulf %unpack3A_500, %get3A_28 : vector<16xf32>
          %add3A_503 = arith.addf %add3A_450, %mul3A_502 : vector<16xf32>
          %mul3A_504 = arith.mulf %unpack3A_501, %get3A_44 : vector<16xf32>
          %add3A_505 = arith.addf %add3A_452, %mul3A_504 : vector<16xf32>
          %get3A_506 = arith.constant 0 : i32
          %get3A_507 = arith.constant 0 : i32
          %get3A_508 = arith.constant 0 : i32
          %get3A_509 = arith.constant 0 : i32
          %get3A_510 = tpu.memref_slice %arg6[%scan3A_313, %get3A_507, %get3A_508, %get3A_509] : memref<2x4x64x128xi32, #tpu.memory_space<vmem>> -> memref<1x4x64x128xi32, #tpu.memory_space<vmem>>
          %get3A_511 = tpu.memref_squeeze %get3A_510 : memref<1x4x64x128xi32, #tpu.memory_space<vmem>> -> memref<4x64x128xi32, #tpu.memory_space<vmem>>
          %get3A_512 = arith.index_cast %get3A_506 : i32 to index
          %get3A_513 = arith.index_cast %add3A_345 : i32 to index
          %get3A_514 = arith.constant 48 : index
          %get3A_515 = tpu.vector_load %get3A_511[%get3A_512, %get3A_513, %get3A_514] {strides = array<i32>} : memref<4x64x128xi32, #tpu.memory_space<vmem>>, vector<16xi32>,
          %bitcast3A_516 = vector.bitcast %get3A_515 : vector<16xi32> to vector<32xbf16>
          %get3A_517 = arith.constant 1 : i32
          %get3A_518 = arith.constant 0 : i32
          %get3A_519 = arith.constant 0 : i32
          %get3A_520 = arith.constant 0 : i32
          %get3A_521 = tpu.memref_slice %arg6[%scan3A_313, %get3A_518, %get3A_519, %get3A_520] : memref<2x4x64x128xi32, #tpu.memory_space<vmem>> -> memref<1x4x64x128xi32, #tpu.memory_space<vmem>>
          %get3A_522 = tpu.memref_squeeze %get3A_521 : memref<1x4x64x128xi32, #tpu.memory_space<vmem>> -> memref<4x64x128xi32, #tpu.memory_space<vmem>>
          %get3A_523 = arith.index_cast %get3A_517 : i32 to index
          %get3A_524 = arith.index_cast %add3A_345 : i32 to index
          %get3A_525 = arith.constant 48 : index
          %get3A_526 = tpu.vector_load %get3A_522[%get3A_523, %get3A_524, %get3A_525] {strides = array<i32>} : memref<4x64x128xi32, #tpu.memory_space<vmem>>, vector<16xi32>,
          %bitcast3A_527 = vector.bitcast %get3A_526 : vector<16xi32> to vector<32xbf16>
          %get3A_528 = arith.constant 2 : i32
          %get3A_529 = arith.constant 0 : i32
          %get3A_530 = arith.constant 0 : i32
          %get3A_531 = arith.constant 0 : i32
          %get3A_532 = tpu.memref_slice %arg6[%scan3A_313, %get3A_529, %get3A_530, %get3A_531] : memref<2x4x64x128xi32, #tpu.memory_space<vmem>> -> memref<1x4x64x128xi32, #tpu.memory_space<vmem>>
          %get3A_533 = tpu.memref_squeeze %get3A_532 : memref<1x4x64x128xi32, #tpu.memory_space<vmem>> -> memref<4x64x128xi32, #tpu.memory_space<vmem>>
          %get3A_534 = arith.index_cast %get3A_528 : i32 to index
          %get3A_535 = arith.index_cast %add3A_345 : i32 to index
          %get3A_536 = arith.constant 48 : index
          %get3A_537 = tpu.vector_load %get3A_533[%get3A_534, %get3A_535, %get3A_536] {strides = array<i32>} : memref<4x64x128xi32, #tpu.memory_space<vmem>>, vector<16xi32>,
          %bitcast3A_538 = vector.bitcast %get3A_537 : vector<16xi32> to vector<32xbf16>
          %get3A_539 = arith.constant 3 : i32
          %get3A_540 = arith.constant 0 : i32
          %get3A_541 = arith.constant 0 : i32
          %get3A_542 = arith.constant 0 : i32
          %get3A_543 = tpu.memref_slice %arg6[%scan3A_313, %get3A_540, %get3A_541, %get3A_542] : memref<2x4x64x128xi32, #tpu.memory_space<vmem>> -> memref<1x4x64x128xi32, #tpu.memory_space<vmem>>
          %get3A_544 = tpu.memref_squeeze %get3A_543 : memref<1x4x64x128xi32, #tpu.memory_space<vmem>> -> memref<4x64x128xi32, #tpu.memory_space<vmem>>
          %get3A_545 = arith.index_cast %get3A_539 : i32 to index
          %get3A_546 = arith.index_cast %add3A_345 : i32 to index
          %get3A_547 = arith.constant 48 : index
          %get3A_548 = tpu.vector_load %get3A_544[%get3A_545, %get3A_546, %get3A_547] {strides = array<i32>} : memref<4x64x128xi32, #tpu.memory_space<vmem>>, vector<16xi32>,
          %bitcast3A_549 = vector.bitcast %get3A_548 : vector<16xi32> to vector<32xbf16>
          %max3A_550 = arith.maximumf %bitcast3A_516, %bitcast3A_527 : vector<32xbf16>
          %max3A_551 = arith.maximumf %bitcast3A_538, %bitcast3A_549 : vector<32xbf16>
          %max3A_552 = arith.maximumf %max3A_550, %max3A_551 : vector<32xbf16>
          %unpack3A_553 = tpu.unpack_subelements %max3A_552, 0 {pack_format = #tpu.pack_format<interleaved>} : vector<32xbf16> -> vector<16xf32>
          %unpack3A_554 = tpu.unpack_subelements %max3A_552, 1 {pack_format = #tpu.pack_format<interleaved>} : vector<32xbf16> -> vector<16xf32>
          %mul3A_555 = arith.mulf %unpack3A_553, %get3A_30 : vector<16xf32>
          %add3A_556 = arith.addf %add3A_503, %mul3A_555 : vector<16xf32>
          %mul3A_557 = arith.mulf %unpack3A_554, %get3A_46 : vector<16xf32>
          %add3A_558 = arith.addf %add3A_505, %mul3A_557 : vector<16xf32>
          %get3A_559 = arith.constant 0 : i32
          %get3A_560 = arith.constant 0 : i32
          %get3A_561 = arith.constant 0 : i32
          %get3A_562 = arith.constant 0 : i32
          %get3A_563 = tpu.memref_slice %arg6[%scan3A_313, %get3A_560, %get3A_561, %get3A_562] : memref<2x4x64x128xi32, #tpu.memory_space<vmem>> -> memref<1x4x64x128xi32, #tpu.memory_space<vmem>>
          %get3A_564 = tpu.memref_squeeze %get3A_563 : memref<1x4x64x128xi32, #tpu.memory_space<vmem>> -> memref<4x64x128xi32, #tpu.memory_space<vmem>>
          %get3A_565 = arith.index_cast %get3A_559 : i32 to index
          %get3A_566 = arith.index_cast %add3A_345 : i32 to index
          %get3A_567 = arith.constant 64 : index
          %get3A_568 = tpu.vector_load %get3A_564[%get3A_565, %get3A_566, %get3A_567] {strides = array<i32>} : memref<4x64x128xi32, #tpu.memory_space<vmem>>, vector<16xi32>,
          %bitcast3A_569 = vector.bitcast %get3A_568 : vector<16xi32> to vector<32xbf16>
          %get3A_570 = arith.constant 1 : i32
          %get3A_571 = arith.constant 0 : i32
          %get3A_572 = arith.constant 0 : i32
          %get3A_573 = arith.constant 0 : i32
          %get3A_574 = tpu.memref_slice %arg6[%scan3A_313, %get3A_571, %get3A_572, %get3A_573] : memref<2x4x64x128xi32, #tpu.memory_space<vmem>> -> memref<1x4x64x128xi32, #tpu.memory_space<vmem>>
          %get3A_575 = tpu.memref_squeeze %get3A_574 : memref<1x4x64x128xi32, #tpu.memory_space<vmem>> -> memref<4x64x128xi32, #tpu.memory_space<vmem>>
          %get3A_576 = arith.index_cast %get3A_570 : i32 to index
          %get3A_577 = arith.index_cast %add3A_345 : i32 to index
          %get3A_578 = arith.constant 64 : index
          %get3A_579 = tpu.vector_load %get3A_575[%get3A_576, %get3A_577, %get3A_578] {strides = array<i32>} : memref<4x64x128xi32, #tpu.memory_space<vmem>>, vector<16xi32>,
          %bitcast3A_580 = vector.bitcast %get3A_579 : vector<16xi32> to vector<32xbf16>
          %get3A_581 = arith.constant 2 : i32
          %get3A_582 = arith.constant 0 : i32
          %get3A_583 = arith.constant 0 : i32
          %get3A_584 = arith.constant 0 : i32
          %get3A_585 = tpu.memref_slice %arg6[%scan3A_313, %get3A_582, %get3A_583, %get3A_584] : memref<2x4x64x128xi32, #tpu.memory_space<vmem>> -> memref<1x4x64x128xi32, #tpu.memory_space<vmem>>
          %get3A_586 = tpu.memref_squeeze %get3A_585 : memref<1x4x64x128xi32, #tpu.memory_space<vmem>> -> memref<4x64x128xi32, #tpu.memory_space<vmem>>
          %get3A_587 = arith.index_cast %get3A_581 : i32 to index
          %get3A_588 = arith.index_cast %add3A_345 : i32 to index
          %get3A_589 = arith.constant 64 : index
          %get3A_590 = tpu.vector_load %get3A_586[%get3A_587, %get3A_588, %get3A_589] {strides = array<i32>} : memref<4x64x128xi32, #tpu.memory_space<vmem>>, vector<16xi32>,
          %bitcast3A_591 = vector.bitcast %get3A_590 : vector<16xi32> to vector<32xbf16>
          %get3A_592 = arith.constant 3 : i32
          %get3A_593 = arith.constant 0 : i32
          %get3A_594 = arith.constant 0 : i32
          %get3A_595 = arith.constant 0 : i32
          %get3A_596 = tpu.memref_slice %arg6[%scan3A_313, %get3A_593, %get3A_594, %get3A_595] : memref<2x4x64x128xi32, #tpu.memory_space<vmem>> -> memref<1x4x64x128xi32, #tpu.memory_space<vmem>>
          %get3A_597 = tpu.memref_squeeze %get3A_596 : memref<1x4x64x128xi32, #tpu.memory_space<vmem>> -> memref<4x64x128xi32, #tpu.memory_space<vmem>>
          %get3A_598 = arith.index_cast %get3A_592 : i32 to index
          %get3A_599 = arith.index_cast %add3A_345 : i32 to index
          %get3A_600 = arith.constant 64 : index
          %get3A_601 = tpu.vector_load %get3A_597[%get3A_598, %get3A_599, %get3A_600] {strides = array<i32>} : memref<4x64x128xi32, #tpu.memory_space<vmem>>, vector<16xi32>,
          %bitcast3A_602 = vector.bitcast %get3A_601 : vector<16xi32> to vector<32xbf16>
          %max3A_603 = arith.maximumf %bitcast3A_569, %bitcast3A_580 : vector<32xbf16>
          %max3A_604 = arith.maximumf %bitcast3A_591, %bitcast3A_602 : vector<32xbf16>
          %max3A_605 = arith.maximumf %max3A_603, %max3A_604 : vector<32xbf16>
          %unpack3A_606 = tpu.unpack_subelements %max3A_605, 0 {pack_format = #tpu.pack_format<interleaved>} : vector<32xbf16> -> vector<16xf32>
          %unpack3A_607 = tpu.unpack_subelements %max3A_605, 1 {pack_format = #tpu.pack_format<interleaved>} : vector<32xbf16> -> vector<16xf32>
          %mul3A_608 = arith.mulf %unpack3A_606, %get3A_32 : vector<16xf32>
          %add3A_609 = arith.addf %add3A_556, %mul3A_608 : vector<16xf32>
          %mul3A_610 = arith.mulf %unpack3A_607, %get3A_48 : vector<16xf32>
          %add3A_611 = arith.addf %add3A_558, %mul3A_610 : vector<16xf32>
          %get3A_612 = arith.constant 0 : i32
          %get3A_613 = arith.constant 0 : i32
          %get3A_614 = arith.constant 0 : i32
          %get3A_615 = arith.constant 0 : i32
          %get3A_616 = tpu.memref_slice %arg6[%scan3A_313, %get3A_613, %get3A_614, %get3A_615] : memref<2x4x64x128xi32, #tpu.memory_space<vmem>> -> memref<1x4x64x128xi32, #tpu.memory_space<vmem>>
          %get3A_617 = tpu.memref_squeeze %get3A_616 : memref<1x4x64x128xi32, #tpu.memory_space<vmem>> -> memref<4x64x128xi32, #tpu.memory_space<vmem>>
          %get3A_618 = arith.index_cast %get3A_612 : i32 to index
          %get3A_619 = arith.index_cast %add3A_345 : i32 to index
          %get3A_620 = arith.constant 80 : index
          %get3A_621 = tpu.vector_load %get3A_617[%get3A_618, %get3A_619, %get3A_620] {strides = array<i32>} : memref<4x64x128xi32, #tpu.memory_space<vmem>>, vector<16xi32>,
          %bitcast3A_622 = vector.bitcast %get3A_621 : vector<16xi32> to vector<32xbf16>
          %get3A_623 = arith.constant 1 : i32
          %get3A_624 = arith.constant 0 : i32
          %get3A_625 = arith.constant 0 : i32
          %get3A_626 = arith.constant 0 : i32
          %get3A_627 = tpu.memref_slice %arg6[%scan3A_313, %get3A_624, %get3A_625, %get3A_626] : memref<2x4x64x128xi32, #tpu.memory_space<vmem>> -> memref<1x4x64x128xi32, #tpu.memory_space<vmem>>
          %get3A_628 = tpu.memref_squeeze %get3A_627 : memref<1x4x64x128xi32, #tpu.memory_space<vmem>> -> memref<4x64x128xi32, #tpu.memory_space<vmem>>
          %get3A_629 = arith.index_cast %get3A_623 : i32 to index
          %get3A_630 = arith.index_cast %add3A_345 : i32 to index
          %get3A_631 = arith.constant 80 : index
          %get3A_632 = tpu.vector_load %get3A_628[%get3A_629, %get3A_630, %get3A_631] {strides = array<i32>} : memref<4x64x128xi32, #tpu.memory_space<vmem>>, vector<16xi32>,
          %bitcast3A_633 = vector.bitcast %get3A_632 : vector<16xi32> to vector<32xbf16>
          %get3A_634 = arith.constant 2 : i32
          %get3A_635 = arith.constant 0 : i32
          %get3A_636 = arith.constant 0 : i32
          %get3A_637 = arith.constant 0 : i32
          %get3A_638 = tpu.memref_slice %arg6[%scan3A_313, %get3A_635, %get3A_636, %get3A_637] : memref<2x4x64x128xi32, #tpu.memory_space<vmem>> -> memref<1x4x64x128xi32, #tpu.memory_space<vmem>>
          %get3A_639 = tpu.memref_squeeze %get3A_638 : memref<1x4x64x128xi32, #tpu.memory_space<vmem>> -> memref<4x64x128xi32, #tpu.memory_space<vmem>>
          %get3A_640 = arith.index_cast %get3A_634 : i32 to index
          %get3A_641 = arith.index_cast %add3A_345 : i32 to index
          %get3A_642 = arith.constant 80 : index
          %get3A_643 = tpu.vector_load %get3A_639[%get3A_640, %get3A_641, %get3A_642] {strides = array<i32>} : memref<4x64x128xi32, #tpu.memory_space<vmem>>, vector<16xi32>,
          %bitcast3A_644 = vector.bitcast %get3A_643 : vector<16xi32> to vector<32xbf16>
          %get3A_645 = arith.constant 3 : i32
          %get3A_646 = arith.constant 0 : i32
          %get3A_647 = arith.constant 0 : i32
          %get3A_648 = arith.constant 0 : i32
          %get3A_649 = tpu.memref_slice %arg6[%scan3A_313, %get3A_646, %get3A_647, %get3A_648] : memref<2x4x64x128xi32, #tpu.memory_space<vmem>> -> memref<1x4x64x128xi32, #tpu.memory_space<vmem>>
          %get3A_650 = tpu.memref_squeeze %get3A_649 : memref<1x4x64x128xi32, #tpu.memory_space<vmem>> -> memref<4x64x128xi32, #tpu.memory_space<vmem>>
          %get3A_651 = arith.index_cast %get3A_645 : i32 to index
          %get3A_652 = arith.index_cast %add3A_345 : i32 to index
          %get3A_653 = arith.constant 80 : index
          %get3A_654 = tpu.vector_load %get3A_650[%get3A_651, %get3A_652, %get3A_653] {strides = array<i32>} : memref<4x64x128xi32, #tpu.memory_space<vmem>>, vector<16xi32>,
          %bitcast3A_655 = vector.bitcast %get3A_654 : vector<16xi32> to vector<32xbf16>
          %max3A_656 = arith.maximumf %bitcast3A_622, %bitcast3A_633 : vector<32xbf16>
          %max3A_657 = arith.maximumf %bitcast3A_644, %bitcast3A_655 : vector<32xbf16>
          %max3A_658 = arith.maximumf %max3A_656, %max3A_657 : vector<32xbf16>
          %unpack3A_659 = tpu.unpack_subelements %max3A_658, 0 {pack_format = #tpu.pack_format<interleaved>} : vector<32xbf16> -> vector<16xf32>
          %unpack3A_660 = tpu.unpack_subelements %max3A_658, 1 {pack_format = #tpu.pack_format<interleaved>} : vector<32xbf16> -> vector<16xf32>
          %mul3A_661 = arith.mulf %unpack3A_659, %get3A_34 : vector<16xf32>
          %add3A_662 = arith.addf %add3A_609, %mul3A_661 : vector<16xf32>
          %mul3A_663 = arith.mulf %unpack3A_660, %get3A_50 : vector<16xf32>
          %add3A_664 = arith.addf %add3A_611, %mul3A_663 : vector<16xf32>
          %get3A_665 = arith.constant 0 : i32
          %get3A_666 = arith.constant 0 : i32
          %get3A_667 = arith.constant 0 : i32
          %get3A_668 = arith.constant 0 : i32
          %get3A_669 = tpu.memref_slice %arg6[%scan3A_313, %get3A_666, %get3A_667, %get3A_668] : memref<2x4x64x128xi32, #tpu.memory_space<vmem>> -> memref<1x4x64x128xi32, #tpu.memory_space<vmem>>
          %get3A_670 = tpu.memref_squeeze %get3A_669 : memref<1x4x64x128xi32, #tpu.memory_space<vmem>> -> memref<4x64x128xi32, #tpu.memory_space<vmem>>
          %get3A_671 = arith.index_cast %get3A_665 : i32 to index
          %get3A_672 = arith.index_cast %add3A_345 : i32 to index
          %get3A_673 = arith.constant 96 : index
          %get3A_674 = tpu.vector_load %get3A_670[%get3A_671, %get3A_672, %get3A_673] {strides = array<i32>} : memref<4x64x128xi32, #tpu.memory_space<vmem>>, vector<16xi32>,
          %bitcast3A_675 = vector.bitcast %get3A_674 : vector<16xi32> to vector<32xbf16>
          %get3A_676 = arith.constant 1 : i32
          %get3A_677 = arith.constant 0 : i32
          %get3A_678 = arith.constant 0 : i32
          %get3A_679 = arith.constant 0 : i32
          %get3A_680 = tpu.memref_slice %arg6[%scan3A_313, %get3A_677, %get3A_678, %get3A_679] : memref<2x4x64x128xi32, #tpu.memory_space<vmem>> -> memref<1x4x64x128xi32, #tpu.memory_space<vmem>>
          %get3A_681 = tpu.memref_squeeze %get3A_680 : memref<1x4x64x128xi32, #tpu.memory_space<vmem>> -> memref<4x64x128xi32, #tpu.memory_space<vmem>>
          %get3A_682 = arith.index_cast %get3A_676 : i32 to index
          %get3A_683 = arith.index_cast %add3A_345 : i32 to index
          %get3A_684 = arith.constant 96 : index
          %get3A_685 = tpu.vector_load %get3A_681[%get3A_682, %get3A_683, %get3A_684] {strides = array<i32>} : memref<4x64x128xi32, #tpu.memory_space<vmem>>, vector<16xi32>,
          %bitcast3A_686 = vector.bitcast %get3A_685 : vector<16xi32> to vector<32xbf16>
          %get3A_687 = arith.constant 2 : i32
          %get3A_688 = arith.constant 0 : i32
          %get3A_689 = arith.constant 0 : i32
          %get3A_690 = arith.constant 0 : i32
          %get3A_691 = tpu.memref_slice %arg6[%scan3A_313, %get3A_688, %get3A_689, %get3A_690] : memref<2x4x64x128xi32, #tpu.memory_space<vmem>> -> memref<1x4x64x128xi32, #tpu.memory_space<vmem>>
          %get3A_692 = tpu.memref_squeeze %get3A_691 : memref<1x4x64x128xi32, #tpu.memory_space<vmem>> -> memref<4x64x128xi32, #tpu.memory_space<vmem>>
          %get3A_693 = arith.index_cast %get3A_687 : i32 to index
          %get3A_694 = arith.index_cast %add3A_345 : i32 to index
          %get3A_695 = arith.constant 96 : index
          %get3A_696 = tpu.vector_load %get3A_692[%get3A_693, %get3A_694, %get3A_695] {strides = array<i32>} : memref<4x64x128xi32, #tpu.memory_space<vmem>>, vector<16xi32>,
          %bitcast3A_697 = vector.bitcast %get3A_696 : vector<16xi32> to vector<32xbf16>
          %get3A_698 = arith.constant 3 : i32
          %get3A_699 = arith.constant 0 : i32
          %get3A_700 = arith.constant 0 : i32
          %get3A_701 = arith.constant 0 : i32
          %get3A_702 = tpu.memref_slice %arg6[%scan3A_313, %get3A_699, %get3A_700, %get3A_701] : memref<2x4x64x128xi32, #tpu.memory_space<vmem>> -> memref<1x4x64x128xi32, #tpu.memory_space<vmem>>
          %get3A_703 = tpu.memref_squeeze %get3A_702 : memref<1x4x64x128xi32, #tpu.memory_space<vmem>> -> memref<4x64x128xi32, #tpu.memory_space<vmem>>
          %get3A_704 = arith.index_cast %get3A_698 : i32 to index
          %get3A_705 = arith.index_cast %add3A_345 : i32 to index
          %get3A_706 = arith.constant 96 : index
          %get3A_707 = tpu.vector_load %get3A_703[%get3A_704, %get3A_705, %get3A_706] {strides = array<i32>} : memref<4x64x128xi32, #tpu.memory_space<vmem>>, vector<16xi32>,
          %bitcast3A_708 = vector.bitcast %get3A_707 : vector<16xi32> to vector<32xbf16>
          %max3A_709 = arith.maximumf %bitcast3A_675, %bitcast3A_686 : vector<32xbf16>
          %max3A_710 = arith.maximumf %bitcast3A_697, %bitcast3A_708 : vector<32xbf16>
          %max3A_711 = arith.maximumf %max3A_709, %max3A_710 : vector<32xbf16>
          %unpack3A_712 = tpu.unpack_subelements %max3A_711, 0 {pack_format = #tpu.pack_format<interleaved>} : vector<32xbf16> -> vector<16xf32>
          %unpack3A_713 = tpu.unpack_subelements %max3A_711, 1 {pack_format = #tpu.pack_format<interleaved>} : vector<32xbf16> -> vector<16xf32>
          %mul3A_714 = arith.mulf %unpack3A_712, %get3A_36 : vector<16xf32>
          %add3A_715 = arith.addf %add3A_662, %mul3A_714 : vector<16xf32>
          %mul3A_716 = arith.mulf %unpack3A_713, %get3A_52 : vector<16xf32>
          %add3A_717 = arith.addf %add3A_664, %mul3A_716 : vector<16xf32>
          %get3A_718 = arith.constant 0 : i32
          %get3A_719 = arith.constant 0 : i32
          %get3A_720 = arith.constant 0 : i32
          %get3A_721 = arith.constant 0 : i32
          %get3A_722 = tpu.memref_slice %arg6[%scan3A_313, %get3A_719, %get3A_720, %get3A_721] : memref<2x4x64x128xi32, #tpu.memory_space<vmem>> -> memref<1x4x64x128xi32, #tpu.memory_space<vmem>>
          %get3A_723 = tpu.memref_squeeze %get3A_722 : memref<1x4x64x128xi32, #tpu.memory_space<vmem>> -> memref<4x64x128xi32, #tpu.memory_space<vmem>>
          %get3A_724 = arith.index_cast %get3A_718 : i32 to index
          %get3A_725 = arith.index_cast %add3A_345 : i32 to index
          %get3A_726 = arith.constant 112 : index
          %get3A_727 = tpu.vector_load %get3A_723[%get3A_724, %get3A_725, %get3A_726] {strides = array<i32>} : memref<4x64x128xi32, #tpu.memory_space<vmem>>, vector<16xi32>,
          %bitcast3A_728 = vector.bitcast %get3A_727 : vector<16xi32> to vector<32xbf16>
          %get3A_729 = arith.constant 1 : i32
          %get3A_730 = arith.constant 0 : i32
          %get3A_731 = arith.constant 0 : i32
          %get3A_732 = arith.constant 0 : i32
          %get3A_733 = tpu.memref_slice %arg6[%scan3A_313, %get3A_730, %get3A_731, %get3A_732] : memref<2x4x64x128xi32, #tpu.memory_space<vmem>> -> memref<1x4x64x128xi32, #tpu.memory_space<vmem>>
          %get3A_734 = tpu.memref_squeeze %get3A_733 : memref<1x4x64x128xi32, #tpu.memory_space<vmem>> -> memref<4x64x128xi32, #tpu.memory_space<vmem>>
          %get3A_735 = arith.index_cast %get3A_729 : i32 to index
          %get3A_736 = arith.index_cast %add3A_345 : i32 to index
          %get3A_737 = arith.constant 112 : index
          %get3A_738 = tpu.vector_load %get3A_734[%get3A_735, %get3A_736, %get3A_737] {strides = array<i32>} : memref<4x64x128xi32, #tpu.memory_space<vmem>>, vector<16xi32>,
          %bitcast3A_739 = vector.bitcast %get3A_738 : vector<16xi32> to vector<32xbf16>
          %get3A_740 = arith.constant 2 : i32
          %get3A_741 = arith.constant 0 : i32
          %get3A_742 = arith.constant 0 : i32
          %get3A_743 = arith.constant 0 : i32
          %get3A_744 = tpu.memref_slice %arg6[%scan3A_313, %get3A_741, %get3A_742, %get3A_743] : memref<2x4x64x128xi32, #tpu.memory_space<vmem>> -> memref<1x4x64x128xi32, #tpu.memory_space<vmem>>
          %get3A_745 = tpu.memref_squeeze %get3A_744 : memref<1x4x64x128xi32, #tpu.memory_space<vmem>> -> memref<4x64x128xi32, #tpu.memory_space<vmem>>
          %get3A_746 = arith.index_cast %get3A_740 : i32 to index
          %get3A_747 = arith.index_cast %add3A_345 : i32 to index
          %get3A_748 = arith.constant 112 : index
          %get3A_749 = tpu.vector_load %get3A_745[%get3A_746, %get3A_747, %get3A_748] {strides = array<i32>} : memref<4x64x128xi32, #tpu.memory_space<vmem>>, vector<16xi32>,
          %bitcast3A_750 = vector.bitcast %get3A_749 : vector<16xi32> to vector<32xbf16>
          %get3A_751 = arith.constant 3 : i32
          %get3A_752 = arith.constant 0 : i32
          %get3A_753 = arith.constant 0 : i32
          %get3A_754 = arith.constant 0 : i32
          %get3A_755 = tpu.memref_slice %arg6[%scan3A_313, %get3A_752, %get3A_753, %get3A_754] : memref<2x4x64x128xi32, #tpu.memory_space<vmem>> -> memref<1x4x64x128xi32, #tpu.memory_space<vmem>>
          %get3A_756 = tpu.memref_squeeze %get3A_755 : memref<1x4x64x128xi32, #tpu.memory_space<vmem>> -> memref<4x64x128xi32, #tpu.memory_space<vmem>>
          %get3A_757 = arith.index_cast %get3A_751 : i32 to index
          %get3A_758 = arith.index_cast %add3A_345 : i32 to index
          %get3A_759 = arith.constant 112 : index
          %get3A_760 = tpu.vector_load %get3A_756[%get3A_757, %get3A_758, %get3A_759] {strides = array<i32>} : memref<4x64x128xi32, #tpu.memory_space<vmem>>, vector<16xi32>,
          %bitcast3A_761 = vector.bitcast %get3A_760 : vector<16xi32> to vector<32xbf16>
          %max3A_762 = arith.maximumf %bitcast3A_728, %bitcast3A_739 : vector<32xbf16>
          %max3A_763 = arith.maximumf %bitcast3A_750, %bitcast3A_761 : vector<32xbf16>
          %max3A_764 = arith.maximumf %max3A_762, %max3A_763 : vector<32xbf16>
          %unpack3A_765 = tpu.unpack_subelements %max3A_764, 0 {pack_format = #tpu.pack_format<interleaved>} : vector<32xbf16> -> vector<16xf32>
          %unpack3A_766 = tpu.unpack_subelements %max3A_764, 1 {pack_format = #tpu.pack_format<interleaved>} : vector<32xbf16> -> vector<16xf32>
          %mul3A_767 = arith.mulf %unpack3A_765, %get3A_38 : vector<16xf32>
          %add3A_768 = arith.addf %add3A_715, %mul3A_767 : vector<16xf32>
          %mul3A_769 = arith.mulf %unpack3A_766, %get3A_54 : vector<16xf32>
          %add3A_770 = arith.addf %add3A_717, %mul3A_769 : vector<16xf32>
          %add3A_771 = arith.addf %add3A_768, %add3A_770 : vector<16xf32>
          %reduce_sum3A = arith.constant true
          %reduce_sum3A_772 = vector.broadcast %reduce_sum3A : i1 to vector<16xi1>
          %reduce_sum3A_773 = tpu.scan <sum>, %add3A_771 masked %reduce_sum3A_772 : vector<16xf32>, vector<16xi1> -> vector<16xf32>
          %reduce_sum3A_774 = vector.extract %reduce_sum3A_773[15] : f32 from vector<16xf32>
          %add3A_775 = arith.addf %reduce_sum3A_774, %squeeze3A : f32
          %eq3A = vector.broadcast %scan3A_341 : i32 to vector<16xi32>
          %eq3A_776 = arith.cmpi eq, %iota3A, %eq3A : vector<16xi32>
          %broadcast_in_dim3A_777 = vector.broadcast %add3A_775 : f32 to vector<16xf32>
          %select_n3A_778 = arith.select %eq3A_776, %broadcast_in_dim3A_777, %scan3A_342 : vector<16xi1>, vector<16xf32>
          scf.yield %select_n3A_778 : vector<16xf32>
        }
        %scan3A_334 = arith.constant 16 : i32
        %mul3A_335 = arith.constant 64 : i32
        %mul3A_336 = arith.muli %add3A_255, %mul3A_335 : i32
        %mul3A_337 = arith.constant 16 : i32
        %mul3A_338 = arith.muli %scan3A_326, %mul3A_337 : i32
        %add3A_339 = arith.addi %mul3A_336, %mul3A_338 : i32
        %swap3A = arith.index_cast %add3A_339 : i32 to index
        %swap3A_340 = tpu.vector_load %arg9[%swap3A] {strides = array<i32>} : memref<256xf32, #tpu.memory_space<vmem>>, vector<16xf32>,
        tpu.vector_store %arg9[%swap3A], %scan3A_333 {strides = array<i32>} : memref<256xf32, #tpu.memory_space<vmem>>, vector<16xf32>,
      }
      %scan3A_318 = arith.constant 4 : i32
      %add3A_319 = arith.constant 2 : i32
      %add3A_320 = arith.addi %add3A_255, %add3A_319 : i32
      %lt3A_321 = arith.constant 4 : i32
      %lt3A_322 = arith.cmpi slt, %add3A_320, %lt3A_321 : i32
      %convert_element_type3A_323 = arith.extui %lt3A_322 : i1 to i32
      %cond3A_324 = arith.constant 0 : i32
      %cond3A_325 = arith.cmpi ne, %convert_element_type3A_323, %cond3A_324 : i32
      scf.if %cond3A_325 {
        %add3A_326 = arith.constant 2 : i32
        %add3A_327 = arith.addi %add3A_255, %add3A_326 : i32
        %mul3A_328 = arith.constant 64 : i32
        %mul3A_329 = arith.muli %add3A_327, %mul3A_328 : i32
        %dma_start3A_330 = arith.constant 0 : i32
        %dma_start3A_331 = arith.constant 1 : i32
        %dma_start3A_332 = arith.constant 0 : i32
        %dma_start3A_333 = arith.constant 0 : i32
        %dma_start3A_334 = arith.constant 0 : i32
        %dma_start3A_335 = tpu.memref_slice %arg6[%dma_start3A_331, %dma_start3A_332, %dma_start3A_333, %dma_start3A_334] : memref<2x4x64x128xi32, #tpu.memory_space<vmem>> -> memref<1x1x64x128xi32, #tpu.memory_space<vmem>>
        %dma_start3A_336 = tpu.memref_squeeze %dma_start3A_335 : memref<1x1x64x128xi32, #tpu.memory_space<vmem>> -> memref<64x128xi32, #tpu.memory_space<vmem>>
        %dma_start3A_337 = tpu.memref_slice %arg7[%dma_start3A_330, %mul3A_329] : memref<4x256xi32, #tpu.memory_space<vmem>> -> memref<1x64xi32, #tpu.memory_space<vmem>>
        %dma_start3A_338 = tpu.memref_squeeze %dma_start3A_337 : memref<1x64xi32, #tpu.memory_space<vmem>> -> memref<64xi32, #tpu.memory_space<vmem>>
        %dma_start3A_339 = arith.constant 0 : i32
        %dma_start3A_340 = arith.constant 0 : i32
        %dma_start3A_341 = tpu.memref_slice %arg2[%dma_start3A_339, %dma_start3A_340] : memref<8192x128xi32, #tpu.memory_space<hbm>> -> memref<8192x128xi32, #tpu.memory_space<hbm>>
        tpu.enqueue_indirect_dma source(%dma_start3A_341 : memref<8192x128xi32, #tpu.memory_space<hbm>>) target(%dma_start3A_336 : memref<64x128xi32, #tpu.memory_space<vmem>>) offsets(%dma_start3A_338 : memref<64xi32, #tpu.memory_space<vmem>>) semaphore(%arg11 : memref<!tpu.dma_semaphore, #tpu.memory_space<semaphore_mem>>)
        %mul3A_342 = arith.constant 64 : i32
        %mul3A_343 = arith.muli %add3A_327, %mul3A_342 : i32
        %dma_start3A_344 = arith.constant 1 : i32
        %dma_start3A_345 = arith.constant 1 : i32
        %dma_start3A_346 = arith.constant 1 : i32
        %dma_start3A_347 = arith.constant 0 : i32
        %dma_start3A_348 = arith.constant 0 : i32
        %dma_start3A_349 = tpu.memref_slice %arg6[%dma_start3A_345, %dma_start3A_346, %dma_start3A_347, %dma_start3A_348] : memref<2x4x64x128xi32, #tpu.memory_space<vmem>> -> memref<1x1x64x128xi32, #tpu.memory_space<vmem>>
        %dma_start3A_350 = tpu.memref_squeeze %dma_start3A_349 : memref<1x1x64x128xi32, #tpu.memory_space<vmem>> -> memref<64x128xi32, #tpu.memory_space<vmem>>
        %dma_start3A_351 = tpu.memref_slice %arg7[%dma_start3A_344, %mul3A_343] : memref<4x256xi32, #tpu.memory_space<vmem>> -> memref<1x64xi32, #tpu.memory_space<vmem>>
        %dma_start3A_352 = tpu.memref_squeeze %dma_start3A_351 : memref<1x64xi32, #tpu.memory_space<vmem>> -> memref<64xi32, #tpu.memory_space<vmem>>
        %dma_start3A_353 = arith.constant 0 : i32
        %dma_start3A_354 = arith.constant 0 : i32
        %dma_start3A_355 = tpu.memref_slice %arg2[%dma_start3A_353, %dma_start3A_354] : memref<8192x128xi32, #tpu.memory_space<hbm>> -> memref<8192x128xi32, #tpu.memory_space<hbm>>
        tpu.enqueue_indirect_dma source(%dma_start3A_355 : memref<8192x128xi32, #tpu.memory_space<hbm>>) target(%dma_start3A_350 : memref<64x128xi32, #tpu.memory_space<vmem>>) offsets(%dma_start3A_352 : memref<64xi32, #tpu.memory_space<vmem>>) semaphore(%arg11 : memref<!tpu.dma_semaphore, #tpu.memory_space<semaphore_mem>>)
        %mul3A_356 = arith.constant 64 : i32
        %mul3A_357 = arith.muli %add3A_327, %mul3A_356 : i32
        %dma_start3A_358 = arith.constant 2 : i32
        %dma_start3A_359 = arith.constant 1 : i32
        %dma_start3A_360 = arith.constant 2 : i32
        %dma_start3A_361 = arith.constant 0 : i32
        %dma_start3A_362 = arith.constant 0 : i32
        %dma_start3A_363 = tpu.memref_slice %arg6[%dma_start3A_359, %dma_start3A_360, %dma_start3A_361, %dma_start3A_362] : memref<2x4x64x128xi32, #tpu.memory_space<vmem>> -> memref<1x1x64x128xi32, #tpu.memory_space<vmem>>
        %dma_start3A_364 = tpu.memref_squeeze %dma_start3A_363 : memref<1x1x64x128xi32, #tpu.memory_space<vmem>> -> memref<64x128xi32, #tpu.memory_space<vmem>>
        %dma_start3A_365 = tpu.memref_slice %arg7[%dma_start3A_358, %mul3A_357] : memref<4x256xi32, #tpu.memory_space<vmem>> -> memref<1x64xi32, #tpu.memory_space<vmem>>
        %dma_start3A_366 = tpu.memref_squeeze %dma_start3A_365 : memref<1x64xi32, #tpu.memory_space<vmem>> -> memref<64xi32, #tpu.memory_space<vmem>>
        %dma_start3A_367 = arith.constant 0 : i32
        %dma_start3A_368 = arith.constant 0 : i32
        %dma_start3A_369 = tpu.memref_slice %arg2[%dma_start3A_367, %dma_start3A_368] : memref<8192x128xi32, #tpu.memory_space<hbm>> -> memref<8192x128xi32, #tpu.memory_space<hbm>>
        tpu.enqueue_indirect_dma source(%dma_start3A_369 : memref<8192x128xi32, #tpu.memory_space<hbm>>) target(%dma_start3A_364 : memref<64x128xi32, #tpu.memory_space<vmem>>) offsets(%dma_start3A_366 : memref<64xi32, #tpu.memory_space<vmem>>) semaphore(%arg11 : memref<!tpu.dma_semaphore, #tpu.memory_space<semaphore_mem>>)
        %mul3A_370 = arith.constant 64 : i32
        %mul3A_371 = arith.muli %add3A_327, %mul3A_370 : i32
        %dma_start3A_372 = arith.constant 3 : i32
        %dma_start3A_373 = arith.constant 1 : i32
        %dma_start3A_374 = arith.constant 3 : i32
        %dma_start3A_375 = arith.constant 0 : i32
        %dma_start3A_376 = arith.constant 0 : i32
        %dma_start3A_377 = tpu.memref_slice %arg6[%dma_start3A_373, %dma_start3A_374, %dma_start3A_375, %dma_start3A_376] : memref<2x4x64x128xi32, #tpu.memory_space<vmem>> -> memref<1x1x64x128xi32, #tpu.memory_space<vmem>>
        %dma_start3A_378 = tpu.memref_squeeze %dma_start3A_377 : memref<1x1x64x128xi32, #tpu.memory_space<vmem>> -> memref<64x128xi32, #tpu.memory_space<vmem>>
        %dma_start3A_379 = tpu.memref_slice %arg7[%dma_start3A_372, %mul3A_371] : memref<4x256xi32, #tpu.memory_space<vmem>> -> memref<1x64xi32, #tpu.memory_space<vmem>>
        %dma_start3A_380 = tpu.memref_squeeze %dma_start3A_379 : memref<1x64xi32, #tpu.memory_space<vmem>> -> memref<64xi32, #tpu.memory_space<vmem>>
        %dma_start3A_381 = arith.constant 0 : i32
        %dma_start3A_382 = arith.constant 0 : i32
        %dma_start3A_383 = tpu.memref_slice %arg2[%dma_start3A_381, %dma_start3A_382] : memref<8192x128xi32, #tpu.memory_space<hbm>> -> memref<8192x128xi32, #tpu.memory_space<hbm>>
        tpu.enqueue_indirect_dma source(%dma_start3A_383 : memref<8192x128xi32, #tpu.memory_space<hbm>>) target(%dma_start3A_378 : memref<64x128xi32, #tpu.memory_space<vmem>>) offsets(%dma_start3A_380 : memref<64xi32, #tpu.memory_space<vmem>>) semaphore(%arg11 : memref<!tpu.dma_semaphore, #tpu.memory_space<semaphore_mem>>)
      } else {
      }
    }
    %scan3A_180 = arith.constant 2 : i32
    "tpu.region"() ({
      %run_scoped3A_181 = tpu.sem_alloc : memref<!tpu.dma_semaphore, #tpu.memory_space<semaphore_mem>>
      %dma_start3A_182 = tpu.memref_slice %arg5[%mul3A_2] : memref<8192xf32, #tpu.memory_space<hbm>> -> memref<256xf32, #tpu.memory_space<hbm>>
      %dma_start3A_183 = tpu.memref_slice %arg5[%mul3A_2] : memref<8192xf32, #tpu.memory_space<hbm>> -> memref<256xf32, #tpu.memory_space<hbm>>
      tpu.enqueue_dma source(%arg9 : memref<256xf32, #tpu.memory_space<vmem>>) target(%dma_start3A_183 : memref<256xf32, #tpu.memory_space<hbm>>) target_semaphore(%run_scoped3A_181 : memref<!tpu.dma_semaphore, #tpu.memory_space<semaphore_mem>>)
      %dma_wait3A = tpu.memref_slice %arg5[%mul3A_2] : memref<8192xf32, #tpu.memory_space<hbm>> -> memref<256xf32, #tpu.memory_space<hbm>>
      %dma_wait3A_184 = tpu.memref_slice %arg5[%mul3A_2] : memref<8192xf32, #tpu.memory_space<hbm>> -> memref<256xf32, #tpu.memory_space<hbm>>
      tpu.wait_dma2 semaphore(%run_scoped3A_181 : memref<!tpu.dma_semaphore, #tpu.memory_space<semaphore_mem>>) src(%arg9 : memref<256xf32, #tpu.memory_space<vmem>>) dst(%dma_wait3A_184 : memref<256xf32, #tpu.memory_space<hbm>>)
      tpu.yield
    }) : () -> ()
    return
  }
}

</mosaic_0001>

<sc_bundles>
// kernel: _sc_pool_dot.3.cloned.1.call-start
scs
__scs_entry_jumppad:
0x0: {  	(pc) =	sbr.rel $0x88, $3  }
0x1: {  	(tag) =	ssettag $0x0;
	lr =	simm.s32 $0x1  }
0x2: {  	[smem:$0x3F9E] =	sst lr;
	_ =	strace $0xD0000000  }
0x3: {  	_ = 	snop  }
0x4: {  	_ = 	snop  }
0x5: {  	_ = 	snop  }
0x6: {  	_ = 	snop  }
0x7: {  	_ = 	snop  }
__scs_overlays_trampoline_lowered:
0x8: {  	[smem:$0x3FAD] =	sst s0  }
0x9: {  	[smem:$0x3FAE] =	sst s1  }
0xa: {  	[smem:$0x3FAF] =	sst s2  }
0xb: {  	[smem:$0x3FB0] =	sst s3  }
0xc: {  	[smem:$0x3FB1] =	sst s4  }
0xd: {  	[smem:$0x3FB2] =	sst s5  }
0xe: {  	[smem:$0x3FB3] =	sst s6  }
0xf: {  	[smem:$0x3FB4] =	sst s7  }
0x10: {  	[smem:$0x3FB5] =	sst s8  }
0x11: {  	[smem:$0x3FB6] =	sst s9;
	s0 =	simm.s32 @!p0 $0x0  }
0x12: {  	s1 =	sld [smem:$0x3F9C];
	s0 =	simm.s32 @p0 $0x1  }
0x13: {  	[smem:$0x3FB7] =	sst s0;
	s0 =	simm.s32 @!p1 $0x0  }
0x14: {  	s2 =	sld [smem:$0x3F9B];
	s0 =	simm.s32 @p1 $0x1  }
0x15: {  	[smem:$0x3FB8] =	sst s0;
	s0 =	simm.s32 @!p2 $0x0  }
0x16: {  	s3 =	sld [smem:$0x3FDB];
	s0 =	simm.s32 @p2 $0x1  }
0x17: {  	s4 =	simm.s32 $0x1BF5;
	[smem:$0x3FBA] =	sst s0  }
0x18: {  	s0 =	sld [smem:$0x3F9D];
	_ =	swait.ge [sflag:s4], $0x0  }
0x19: {  	s7 =	sld [smem:$0x3F9E]  }
0x1a: {  	s8 =	sadd.s32 $0xFFFFE003, lr  }
0x1b: {  	s9 =	sadd.s32 $0xFFFFFEF7, lr;
	s5 =	simm.s32 $0xFFFFFFFF;
	p2 =	slt.u32 s8, $0xFFFFF086  }
0x1c: {  	p1 =	slt.u32 s9, $0xF7A;
	s5 =	simm.s32 @!p2 $0x0  }
0x1d: {  	s5 =	simm.s32 @p1 $0x1;
	p0 =	seq.s32 s7, s2  }
0x1e: {  	s7 =	smul.u32 @!p0 $0xF7A, s2;
	p2 =	seq.s32 @!p0 s5, $0x0  }
0x1f: {  	s9 =	smul.u32 $0xF7A, s1;
	s8 =	simm.s32 @!p0 $0x1BF5;
	p2 =	por !p2, p0  }
0x20: {  	[sflag:s8] =	ssyncset.s32 @!p0 $0xFFFFF086;
	s6 =	sadd.s32 @!p0 s3, s7;
	s7 =	simm.s32 @!p0 $0x108  }
0x21: {  	s3 =	sadd.s32 s3, s9;
	s6 =	sadd.s32 @!p0 $0x88, s6;
	s7 =	simm.s32 @p2 $0x1082  }
0x22: {  	[simem:s7], [sflag:s8] =	dma.local @!p0 [hbm:s6], $0xF7A  }
0x23: {  	s9 =	sor.u32 $0xD0000000, s2;
	s6 =	simm.s32 $0x108;
	_ =	swait.ge @!p0 [sflag:s8], $0x0  }
0x24: {  	s3 =	sadd.s32 $0x88, s3;
	s6 =	simm.s32 @!p1 $0x1082;
	[sflag:s4] =	ssyncset.s32 $0xFFFFF086  }
0x25: {  	[simem:s6], [sflag:s4] =	dma.local [hbm:s3], $0xF7A  }
0x26: {  	[smem:$0x3F9E] =	sst s1;
	(tag) =	ssettag s2;
	_ =	strace s9  }
0x27: {  	s1 =	sld [smem:$0x3FAE]  }
0x28: {  	s2 =	sld [smem:$0x3FAF]  }
0x29: {  	s4 =	sld [smem:$0x3FB1]  }
0x2a: {  	p0 =	seq.s32 s5, $0x0;
	s5 =	sld [smem:$0x3FB2]  }
0x2b: {  	s6 =	sld [smem:$0x3FB3]  }
0x2c: {  	s7 =	sld [smem:$0x3FB4]  }
0x2d: {  	s3 =	simm.s32 $0x108;
	s8 =	sld [smem:$0x3FB5]  }
0x2e: {  	s3 =	simm.s32 @!p0 $0x1082;
	s9 =	sld [smem:$0x3FB6]  }
0x2f: {  	lr =	sadd.s32 s0, s3;
	s0 =	sld [smem:$0x3FAD]  }
0x30: {  	s3 =	sld [smem:$0x3FB0]  }
0x31: {  	[smem:$0x3FB9] =	sst s10  }
0x32: {  	s10 =	sld [smem:$0x3FB7];
	_ =	sdelay $0x3  }
0x33: {  	p0 =	seq.s32 s10, $0x1;
	s10 =	sld [smem:$0x3FB9];
	_ =	sdelay $0x3  }
0x34: {  	[smem:$0x3FB9] =	sst s10  }
0x35: {  	s10 =	sld [smem:$0x3FB8];
	_ =	sdelay $0x3  }
0x36: {  	p1 =	seq.s32 s10, $0x1;
	s10 =	sld [smem:$0x3FB9];
	_ =	sdelay $0x3  }
0x37: {  	[smem:$0x3FB9] =	sst s10  }
0x38: {  	s10 =	sld [smem:$0x3FBA]  }
0x39: {  	_ = 	snop;
	(pc) =	sbr.ind lr, $3  }
0x3a: {  	_ = 	snop  }
0x3b: {  	_ = 	snop  }
0x3c: {  	p2 =	seq.s32 s10, $0x1;
	s10 =	sld [smem:$0x3FB9]  }
0x3d: {  	_ =	shalt  }
0x3e: {  	_ =	shalt  }
0x3f: {  	_ =	shalt  }
0x40: {  	_ =	shalt  }
0x41: {  	_ =	shalt  }
0x42: {  	_ =	shalt  }
0x43: {  	_ =	shalt  }
0x44: {  	_ =	shalt  }
0x45: {  	_ =	shalt  }
0x46: {  	_ =	shalt  }
0x47: {  	_ =	shalt  }
0x48: {  	_ =	shalt  }
0x49: {  	_ =	shalt  }
0x4a: {  	_ =	shalt  }
0x4b: {  	_ =	shalt  }
0x4c: {  	_ =	shalt  }
0x4d: {  	_ =	shalt  }
0x4e: {  	_ =	shalt  }
0x4f: {  	_ =	shalt  }
0x50: {  	_ =	shalt  }
0x51: {  	_ =	shalt  }
0x52: {  	_ =	shalt  }
0x53: {  	_ =	shalt  }
0x54: {  	_ =	shalt  }
0x55: {  	_ =	shalt  }
0x56: {  	_ =	shalt  }
0x57: {  	_ =	shalt  }
0x58: {  	_ =	shalt  }
0x59: {  	_ =	shalt  }
0x5a: {  	_ =	shalt  }
0x5b: {  	_ =	shalt  }
0x5c: {  	_ =	shalt  }
0x5d: {  	_ =	shalt  }
0x5e: {  	_ =	shalt  }
0x5f: {  	_ =	shalt  }
0x60: {  	_ =	shalt  }
0x61: {  	_ =	shalt  }
0x62: {  	_ =	shalt  }
0x63: {  	_ =	shalt  }
0x64: {  	_ =	shalt  }
0x65: {  	_ =	shalt  }
0x66: {  	_ =	shalt  }
0x67: {  	_ =	shalt  }
0x68: {  	_ =	shalt  }
0x69: {  	_ =	shalt  }
0x6a: {  	_ =	shalt  }
0x6b: {  	_ =	shalt  }
0x6c: {  	_ =	shalt  }
0x6d: {  	_ =	shalt  }
0x6e: {  	_ =	shalt  }
0x6f: {  	_ =	shalt  }
0x70: {  	_ =	shalt  }
0x71: {  	_ =	shalt  }
0x72: {  	_ =	shalt  }
0x73: {  	_ =	shalt  }
0x74: {  	_ =	shalt  }
0x75: {  	_ =	shalt  }
0x76: {  	_ =	shalt  }
0x77: {  	_ =	shalt  }
0x78: {  	_ =	shalt  }
0x79: {  	_ =	shalt  }
0x7a: {  	_ =	shalt  }
0x7b: {  	_ =	shalt  }
0x7c: {  	_ =	shalt  }
0x7d: {  	_ =	shalt  }
0x7e: {  	_ =	shalt  }
0x7f: {  	_ =	shalt  }
0x80: {  	_ =	shalt  }
0x81: {  	_ =	shalt  }
0x82: {  	_ =	shalt  }
0x83: {  	_ =	shalt  }
0x84: {  	_ =	shalt  }
0x85: {  	_ =	shalt  }
0x86: {  	_ =	shalt  }
0x87: {  	_ =	shalt  }
.Lfunc_end0:
.L_simem_size_0:
called_computation_lowered:
.L_overlay_start_0:
0x88: {  	s2 =	sld [smem:$0x3FD9]  }
0x89: {  	s3 =	sld [smem:$0x3FFE];
	_ =	sdelay $0x1  }
0x8a: {  	s1 =	srdreg.scid  }
0x8b: {  	s0 =	sand.u32 $0x1, s1  }
0x8c: {  	s17 =	sshll.u32 s0, $0xA;
	s2 =	sadd.s32 s3, s2  }
0x8d: {  	s2 =	sadd.s32 s2, s17  }
0x8e: {  	[smem:$0x3FC5] =	sst s2  }
0x8f: {  	_ = 	snop  }
0x90: {  	s2 =	sld [smem:$0x3FC9]  }
0x91: {  	s18 =	sld [smem:$0x3FC7]  }
0x92: {  	s4 =	sld [smem:$0x3FD0];
	(tm) =	ssettm $0x1  }
0x93: {  	s5 =	sld [smem:$0x3FFB];
	_ =	sdelay $0x3  }
0x94: {  	_ =	strace s5  }
0x95: {  	s5 =	sld [smem:$0x3FFC];
	_ =	sdelay $0x3  }
0x96: {  	_ =	strace s5  }
0x97: {  	s5 =	sld [smem:$0x3FFD];
	_ =	sdelay $0x3  }
0x98: {  	_ =	strace s5  }
0x99: {  	_ =	strace $0x8FFFFFFF  }
0x9a: {  	s19 =	sld [smem:$0x3FDB];
	_ =	sdelay $0x1  }
0x9b: {  	s6 =	simm.s32 $_scs_section_size  }
0x9c: {  	s7 =	simm.s32 $_size__tile_overlayer_lowered;
	s8 =	simm.s32 $_tile_overlayer_lowered  }
0x9d: {  	s22 =	simm.s32 $0x1BFF;
	s21 =	sshll.u32 s8, $0x1;
	s5 =	sadd.s32 s6, s19  }
0x9e: {  	s9 =	simm.s32 $0x0;
	s20 =	sshll.u32 s7, $0x1;
	s7 =	sadd.s32 s21, s5  }
0x9f: {  	[timem:s9], [sflag:s22] =	dma.local [hbm:s7], s20  }
0xa0: {  	_ =	swait.ge [sflag:s22], s20  }
0xa1: {  	s6 =	ssub.s32 $0x0, s20;
	[sflag:s22] =	ssyncset.done $0x0  }
0xa2: {  	[sflag:s22] =	ssyncadd.s32 s6;
	_ =	sdelay $0x1  }
0xa3: {  	s23 =	simm.s32 $0x1B8B  }
0xa4: {  	_ =	swait.ge [sflag:s23], $0x1  }
0xa5: {  	[sflag:s23] =	ssyncset.done $0x0  }
0xa6: {  	s25 =	simm.s32 $0x1B8E;
	s24 =	sld [smem:$0x3FFE];
	[sflag:s23] =	ssyncadd.s32 $0xFFFFFFFF  }
0xa7: {  	s26 =	simm.s32 $execute0_lowered;
	[smem:$0x3FD2] =	sst s25  }
0xa8: {  	s7 =	sshll.u32 s26, $0x1;
	_ =	strace $0x80000046;
	[dreg:$0x1] =	wrdreg $0xFFFFFFFF  }
0xa9: {  	s28 =	simm.s32 $_size_execute0_lowered;
	s5 =	sadd.s32 s5, s7;
	[dreg:$0x0] =	wrdreg $0x0  }
0xaa: {  	s7 =	sshll.u32 s28, $0x1;
	[dreg:$0x2] =	wrdreg s5  }
0xab: {  	[dreg:$0x3] =	wrdreg s7  }
0xac: {  	[dreg:$0x4] =	wrdreg $0xC0  }
0xad: {  	_ =	task [dreg:s9], $0x5FFFF  }
0xae: {  	[dreg:$0x1] =	wrdreg $0xFFFFFFFF  }
0xaf: {  	[dreg:$0x0] =	wrdreg $0x60  }
0xb0: {  	[dreg:$0x2] =	wrdreg s2  }
0xb1: {  	[dreg:$0x3] =	wrdreg s24  }
0xb2: {  	[dreg:$0x4] =	wrdreg s18  }
0xb3: {  	[dreg:$0x5] =	wrdreg s4  }
0xb4: {  	[dreg:$0x6] =	wrdreg $0x9  }
0xb5: {  	_ =	task.clear_ibuf [dreg:s9], $0x7FFFF;
	_ =	strace $0x90000046  }
0xb6: {  	s29 =	simm.s32 $0x9;
	_ =	strace $0x80000048  }
0xb7: {  	_ =	swait.ge [sflag:s29], $0x1  }
0xb8: {  	[sflag:s29] =	ssyncadd.s32 $0xFFFFFFFF  }
0xb9: {  	_ =	strace $0x90000048  }
0xba: {  	_ =	sfence  }
0xbb: {  	s30 =	sld [smem:$0x0];
	_ =	sdelay $0x2  }
0xbc: {  	s31 =	sshll.u32 s1, $0xD;
	s1 =	sshrl.u32 s1, $0x2  }
0xbd: {  	s3 =	sand.u32 $0x4000, s31;
	s1 =	sadd.s32 s1, s30  }
0xbe: {  	s0 =	sor.u32 s3, s0;
	s1 =	sshll.u32 s1, $0x11  }
0xbf: {  	s0 =	sor.u32 s1, s0  }
0xc0: {  	s0 =	sadd.s32 $0x8F2B, s0  }
0xc1: {  	[sflag:s0] =	ssyncadd.remote.s32 $0x1  }
0xc2: {  	_ =	sfence.sel $0xFFFF  }
0xc3: {  	[dreg:$0x0] =	wrdreg $0xFFFFFFFF;
	(pc) =	sbr.abs _section_cstart, $3  }
0xc4: {  	[dreg:$0x1] =	wrdreg $0xFFFFFFFF  }
0xc5: {  	_ =	task.clear_ibuf [dreg:s9], $0x2FFFF;
	_ =	strace $0x9FFFFFFF  }
0xc6: {  	(tm) =	ssettm $0x7FFFFFFF  }
0xc7: {  	_ =	shalt  }
tec
execute0_lowered:
.L_overlay_start_1:
0x0: {  	(tag) =	ssettag $0x1  }
0x1: {  	s0 =	srdreg.scid;
	s1 =	rddreg [dreg:$0x0]  }
0x2: {  	s5 =	stileid.u32;
	s2 =	rddreg [dreg:$0x1]  }
0x3: {  	s9 =	rddreg [dreg:$0x3];
	s12 =	simm.s32 $0x3;
	s13 =	simm.s32 $0x10000  }
0x4: {  	s14 =	simm.s32 $0x10100;
	s15 =	simm.s32 $0x10200;
	s16 =	simm.s32 $0x10300  }
0x5: {  	s17 =	simm.s32 $0x40;
	s20 =	simm.s32 $0x6000;
	s21 =	simm.s32 $0x8000  }
0x6: {  	s22 =	simm.s32 $0xA000;
	s23 =	simm.s32 $0xC000;
	s24 =	simm.s32 $0xE000  }
0x7: {  	s25 =	simm.s32 $0x1;
	s26 =	simm.s32 $0x2;
	s0 =	sand.u32 $0x1, s0  }
0x8: {  	s28 =	simm.s32 $0x10510;
	s3 =	sshll.u32 s5, $0x9;
	s4 =	sshll.u32 s0, $0x8  }
0x9: {  	s29 =	simm.s32 $0x0;
	s30 =	sshll.u32 s5, $0xB;
	s8 =	sor.u32 s4, s3  }
0xa: {  	s0 =	ssub.s32 $0x2, s0;
	s4 =	simm.s32 $0x0;
	s5 =	sor.u32 s30, s8  }
0xb: {  	s31 =	sshrl.u32 s0, $0x1;
	s3 =	sand.u32 $0x1800, s3;
	s5 =	sand.u32 $0x6700, s5  }
0xc: {  	[smem:$0x7FF] =	sst s4;
	s0 =	ssub.s32 s0, s31;
	s5 =	sshrl.u32 s5, $0x3  }
0xd: {  	s10 =	sshrl.u32 s8, $0x3;
	_ =	strace $0x80000047;
	s2 =	sadd.s32 s5, s2  }
0xe: {  	s9 =	sadd.s32 s9, s10;
	s10 =	smax.u32 s0, $0x1;
	s5 =	sadd.s32 $0x400, s2  }
0xf: {  	v1 =	vlaneseq.u32;
	v0 =	vmov s3;
	s6 =	sadd.s32 $0x500, s2;
	s7 =	sadd.s32 $0x600, s2;
	s8 =	sadd.s32 $0x700, s2  }
.LBB2_1:
0x10: {  	s0 =	rddreg [dreg:$0x2];
	s2 =	simm.s32 $0x10400  }
0x11: {  	[tilespmem:s2], [sflag:$0x3] =	stream.linear.gather [hbm4b:s0+s4], $0x110, $0x38;
	[tilespmem:$0x10610] =	vst v63  }
0x12: {  	_ =	swait.ge [sflag:s12], $0x110  }
0x13: {  	[sflag:s12] =	ssyncset.done $0x0  }
0x14: {  	[sflag:s12] =	ssyncadd.s32 $0xFFFFFEF0  }
0x15: {  	v18 =	vld [tilespmem:$0x10500]  }
0x16: {  	v2 =	vld [tilespmem:$0x10400]  }
0x17: {  	v3 =	vld [tilespmem:$0x10410]  }
0x18: {  	v4 =	vld [tilespmem:$0x10420]  }
0x19: {  	v5 =	vld [tilespmem:$0x10430]  }
0x1a: {  	v6 =	vld [tilespmem:$0x10440]  }
0x1b: {  	v7 =	vld [tilespmem:$0x10450]  }
0x1c: {  	v8 =	vld [tilespmem:$0x10460]  }
0x1d: {  	v9 =	vld [tilespmem:$0x10470]  }
0x1e: {  	v10 =	vld [tilespmem:$0x10480]  }
0x1f: {  	v11 =	vld [tilespmem:$0x10490]  }
0x20: {  	v12 =	vld [tilespmem:$0x104A0]  }
0x21: {  	v13 =	vld [tilespmem:$0x104B0]  }
0x22: {  	v14 =	vld [tilespmem:$0x104C0]  }
0x23: {  	v15 =	vld [tilespmem:$0x104D0]  }
0x24: {  	v16 =	vld [tilespmem:$0x104E0]  }
0x25: {  	v17 =	vld [tilespmem:$0x104F0];
	[tilespmem:s13], [sflag:$0x3] =	stream.linear.gather [hbm4b:s5+s4], $0x100, $0x38  }
0x26: {  	_ =	swait.ge [sflag:s12], $0x100  }
0x27: {  	[sflag:s12] =	ssyncset.done $0x0  }
0x28: {  	[sflag:s12] =	ssyncadd.s32 $0xFFFFFF00  }
0x29: {  	[tilespmem:s14], [sflag:$0x3] =	stream.linear.gather [hbm4b:s6+s4], $0x100, $0x38;
	[tilespmem:$0x10610] =	vst v63  }
0x2a: {  	_ =	swait.ge [sflag:s12], $0x100  }
0x2b: {  	[sflag:s12] =	ssyncset.done $0x0  }
0x2c: {  	[sflag:s12] =	ssyncadd.s32 $0xFFFFFF00  }
0x2d: {  	[tilespmem:s15], [sflag:$0x3] =	stream.linear.gather [hbm4b:s7+s4], $0x100, $0x38;
	[tilespmem:$0x10610] =	vst v63  }
0x2e: {  	_ =	swait.ge [sflag:s12], $0x100  }
0x2f: {  	[sflag:s12] =	ssyncset.done $0x0  }
0x30: {  	[sflag:s12] =	ssyncadd.s32 $0xFFFFFF00  }
0x31: {  	[tilespmem:s16], [sflag:$0x3] =	stream.linear.gather [hbm4b:s8+s4], $0x100, $0x38;
	[tilespmem:$0x10610] =	vst v63  }
0x32: {  	_ =	swait.ge [sflag:s12], $0x100  }
0x33: {  	[sflag:s12] =	ssyncset.done $0x0  }
0x34: {  	s0 =	simm.s32 $0x0;
	[sflag:s12] =	ssyncadd.s32 $0xFFFFFF00  }
0x35: {  	v21 =	vld [tilespmem:s0+$0x10000]  }
0x36: {  	v20 =	vld [tilespmem:s0+$0x10100]  }
0x37: {  	s2 =	simm.s32 $0x40;
	v19 =	vld [tilespmem:s0+$0x10200]  }
.LBB2_2:
0x38: {  	p0 =	sne.s32 s2, $0x3C0;
	v22 =	vld [tilespmem:s0+$0x10300];
	_ =	sdelay $0x1  }
.Ltmp0:
0x39: {  	v21 =	vadd.s32 v0, v21;
	(pc) =	sbr.rel @p0 .LBB2_2-.Ltmp0, $4  }
0x3a: {  	s3 =	sshra.s32 s2, $0x2;
	[tilespmem:s0+$0x10000] =	vst v21;
	v20 =	vadd.s32 v0, v20  }
0x3b: {  	v21 =	vld [tilespmem:s3+$0x10000];
	[tilespmem:s0+$0x10100] =	vst v20;
	v19 =	vadd.s32 v0, v19  }
0x3c: {  	v20 =	vld [tilespmem:s3+$0x10100];
	[tilespmem:s0+$0x10200] =	vst v19;
	v22 =	vadd.s32 v0, v22  }
0x3d: {  	s2 =	sadd.s32 $0x40, s2;
	v19 =	vld [tilespmem:s3+$0x10200];
	[tilespmem:s0+$0x10300] =	vst v22;
	s0 =	smov.u32 s3  }
0x3e: {  	(v2sf) =	vpush v18, $0x0  }
0x3f: {  	v18 =	vld [tilespmem:s0+$0x10300];
	_ =	sdelay $0x1  }
0x40: {  	v21 =	vadd.s32 v0, v21  }
0x41: {  	[tilespmem:s0+$0x10000] =	vst v21;
	v20 =	vadd.s32 v0, v20  }
0x42: {  	[tilespmem:s0+$0x10100] =	vst v20;
	v19 =	vadd.s32 v0, v19  }
0x43: {  	[tilespmem:s0+$0x10200] =	vst v19;
	v18 =	vadd.s32 v0, v18  }
0x44: {  	[tilespmem:s0+$0x10300] =	vst v18;
	s0 =	simm.s32 $0x0  }
0x45: {  	[tilespmem:s0], [sflag:$0x1] =	stream.indirect.gather [hbm4b:s1+s17], $0x80, s13, s17, $0xb8;
	[tilespmem:$0x10610] =	vst v63  }
0x46: {  	s2 =	simm.s32 $0x2000  }
0x47: {  	[tilespmem:s2], [sflag:$0x1] =	stream.indirect.gather [hbm4b:s1+s17], $0x80, s14, s17, $0xb8;
	[tilespmem:$0x10610] =	vst v63  }
0x48: {  	s31 =	simm.s32 $0x4000  }
0x49: {  	[tilespmem:s31], [sflag:$0x1] =	stream.indirect.gather [hbm4b:s1+s17], $0x80, s15, s17, $0xb8;
	[tilespmem:$0x10610] =	vst v63  }
0x4a: {  	p1 =	por $0x1, $0x1;
	s3 =	simm.s32 $0x10240;
	s11 =	simm.s32 $0x10140  }
0x4b: {  	[tilespmem:s20], [sflag:$0x1] =	stream.indirect.gather [hbm4b:s1+s17], $0x80, s16, s17, $0xb8;
	[tilespmem:$0x10610] =	vst v63  }
0x4c: {  	s18 =	simm.s32 $0x10040;
	s2 =	simm.s32 $0x10340;
	s30 =	spop (v2sf)  }
.LBB2_4:
0x4d: {  	[tilespmem:s21], [sflag:$0x2] =	stream.indirect.gather [hbm4b:s1+s17], $0x80, s18, s17, $0xb8;
	[tilespmem:$0x10610] =	vst v63  }
0x4e: {  	_ = 	snop  }
0x4f: {  	[tilespmem:s22], [sflag:$0x2] =	stream.indirect.gather [hbm4b:s1+s17], $0x80, s11, s17, $0xb8;
	[tilespmem:$0x10610] =	vst v63  }
0x50: {  	_ = 	snop  }
0x51: {  	[tilespmem:s23], [sflag:$0x2] =	stream.indirect.gather [hbm4b:s1+s17], $0x80, s3, s17, $0xb8;
	[tilespmem:$0x10610] =	vst v63  }
0x52: {  	_ = 	snop  }
0x53: {  	[tilespmem:s24], [sflag:$0x2] =	stream.indirect.gather [hbm4b:s1+s17], $0x80, s2, s17, $0xb8;
	[tilespmem:$0x10610] =	vst v63  }
0x54: {  	_ =	swait.ge [sflag:s25], $0x2000  }
0x55: {  	[sflag:s25] =	ssyncset.done $0x0  }
0x56: {  	[sflag:s25] =	ssyncadd.s32 $0xFFFFE000  }
0x57: {  	_ =	swait.ge [sflag:s25], $0x2000  }
0x58: {  	[sflag:s25] =	ssyncset.done $0x0  }
0x59: {  	[sflag:s25] =	ssyncadd.s32 $0xFFFFE000  }
0x5a: {  	_ =	swait.ge [sflag:s25], $0x2000  }
0x5b: {  	[sflag:s25] =	ssyncset.done $0x0  }
0x5c: {  	[sflag:s25] =	ssyncadd.s32 $0xFFFFE000  }
0x5d: {  	s31 =	sshra.s32 s0, $0x2;
	_ =	swait.ge [sflag:s25], $0x2000  }
0x5e: {  	p0 =	por p1, p1;
	s0 =	sadd.s32 $0x10510, s31;
	[sflag:s25] =	ssyncset.done $0x0  }
0x5f: {  	v18 =	vmov s0;
	s0 =	simm.s32 $0x0;
	s2 =	simm.s32 $0x0;
	[sflag:s25] =	ssyncadd.s32 $0xFFFFE000  }
.LBB2_5:
0x60: {  	v19 =	vmov s2;
	_ =	sdelay $0x3  }
0x61: {  	s11 =	simm.s32 $0x0  }
0x62: {  	v20 =	vld.idx.msk [tilespmem:v19+s11+$0x50 ss:$0x1], $0xffff  }
0x63: {  	v21 =	vld.idx.msk [tilespmem:v19+s11+$0x40 ss:$0x1], $0xffff  }
0x64: {  	v22 =	vld.idx.msk [tilespmem:v19+s11+$0x4040 ss:$0x1], $0xffff  }
0x65: {  	v23 =	vld.idx.msk [tilespmem:v19+s11+$0x2040 ss:$0x1], $0xffff  }
0x66: {  	v24 =	vld.idx.msk [tilespmem:v19+s11+$0x6060 ss:$0x1], $0xffff  }
0x67: {  	v25 =	vld.idx.msk [tilespmem:v19+s11+$0x2030 ss:$0x1], $0xffff  }
0x68: {  	v26 =	vld.idx.msk [tilespmem:v19+s11+$0x6030 ss:$0x1], $0xffff  }
0x69: {  	v27 =	vld.idx.msk [tilespmem:v19+s11+$0x4030 ss:$0x1], $0xffff  }
0x6a: {  	v28 =	vld.idx.msk [tilespmem:v19+s11+$0x30 ss:$0x1], $0xffff  }
0x6b: {  	v29 =	vld.idx.msk [tilespmem:v19+s11+$0x6020 ss:$0x1], $0xffff  }
0x6c: {  	v30 =	vld.idx.msk [tilespmem:v19+s11+$0x4020 ss:$0x1], $0xffff  }
0x6d: {  	v31 =	vld.idx.msk [tilespmem:v19+s11+$0x6040 ss:$0x1], $0xffff  }
0x6e: {  	v32 =	vld.idx.msk [tilespmem:v19+s11+$0x20 ss:$0x1], $0xffff  }
0x6f: {  	v33 =	vld.idx.msk [tilespmem:v19+s11+$0x4010 ss:$0x1], $0xffff  }
0x70: {  	v34 =	vld.idx.msk [tilespmem:v19+s11+$0x2010 ss:$0x1], $0xffff  }
0x71: {  	v35 =	vld.idx.msk [tilespmem:v19+s11+$0x10 ss:$0x1], $0xffff  }
0x72: {  	v36 =	vld.idx.msk [tilespmem:v19+s11+$0x6000 ss:$0x1], $0xffff  }
0x73: {  	v37 =	vld.idx.msk [tilespmem:v19+s11+$0x4000 ss:$0x1], $0xffff  }
0x74: {  	v38 =	vld.idx.msk [tilespmem:v19+s11+$0x2000 ss:$0x1], $0xffff  }
0x75: {  	v39 =	vld.idx.msk [tilespmem:v19+s11+$0x0 ss:$0x1], $0xffff  }
0x76: {  	v40 =	vld.idx.msk [tilespmem:v19+s11+$0x6010 ss:$0x1], $0xffff  }
0x77: {  	v41 =	vld.idx.msk [tilespmem:v19+s11+$0x2050 ss:$0x1], $0xffff  }
0x78: {  	v42 =	vld.idx.msk [tilespmem:v19+s11+$0x4050 ss:$0x1], $0xffff  }
0x79: {  	v43 =	vld.idx.msk [tilespmem:v19+s11+$0x6050 ss:$0x1], $0xffff  }
0x7a: {  	v44 =	vld.idx.msk [tilespmem:v19+s11+$0x60 ss:$0x1], $0xffff  }
0x7b: {  	v45 =	vld.idx.msk [tilespmem:v19+s11+$0x2060 ss:$0x1], $0xffff  }
0x7c: {  	v46 =	vld.idx.msk [tilespmem:v19+s11+$0x4060 ss:$0x1], $0xffff  }
0x7d: {  	v47 =	vld.idx.msk [tilespmem:v19+s11+$0x2020 ss:$0x1], $0xffff  }
0x7e: {  	s3 =	simm.s32 $0x80;
	v52 =	vld.idx.msk [tilespmem:v19+s11+$0x6070 ss:$0x1], $0xffff;
	v25 =	vmax.bf16 v28, v25;
	v26 =	vmax.bf16 v27, v26;
	v28 =	vmax.bf16 v30, v29  }
0x7f: {  	v59 =	vld.idx.msk [tilespmem:v19+s3+$0x4030 ss:$0x1], $0xffff;
	v29 =	vmax.bf16 v35, v34;
	v30 =	vmax.bf16 v37, v36;
	v22 =	vmax.bf16 v22, v31  }
0x80: {  	v61 =	vld.idx.msk [tilespmem:v19+s3+$0x30 ss:$0x1], $0xffff;
	v31 =	vmax.bf16 v39, v38;
	v21 =	vmax.bf16 v21, v23;
	v33 =	vmax.bf16 v33, v40  }
0x81: {  	v62 =	vld.idx.msk [tilespmem:v19+s3+$0x6020 ss:$0x1], $0xffff;
	v20 =	vmax.bf16 v20, v41;
	v54 =	vmax.bf16 v42, v43;
	v57 =	vmax.bf16 v44, v45  }
0x82: {  	v63 =	vld.idx.msk [tilespmem:v19+s3+$0x4020 ss:$0x1], $0xffff;
	v32 =	vmax.bf16 v32, v47;
	v24 =	vmax.bf16 v46, v24;
	v25 =	vmax.bf16 v25, v26  }
0x83: {  	v48 =	vld.idx.msk [tilespmem:v19+s3+$0x6040 ss:$0x1], $0xffff;
	v23 =	vmax.bf16 v31, v30;
	v21 =	vmax.bf16 v21, v22;
	v28 =	vmax.bf16 v32, v28  }
0x84: {  	v50 =	vld.idx.msk [tilespmem:v19+s3+$0x4010 ss:$0x1], $0xffff;
	v20 =	vmax.bf16 v20, v54;
	v24 =	vmax.bf16 v57, v24;
	v51 =	vunpack.i.u.bf16.f32 v25  }
0x85: {  	v27 =	vld.idx.msk [tilespmem:v19+s11+$0x70 ss:$0x1], $0xffff;
	v25 =	vunpack.i.l.bf16.f32 v25;
	v22 =	vunpack.i.u.bf16.f32 v23;
	v23 =	vunpack.i.l.bf16.f32 v23  }
0x86: {  	v35 =	vld.idx.msk [tilespmem:v19+s11+$0x4070 ss:$0x1], $0xffff;
	v30 =	vunpack.i.u.bf16.f32 v21;
	v58 =	vunpack.i.l.bf16.f32 v28;
	v23 =	vmul.f32 v23, v2  }
0x87: {  	v38 =	vld.idx.msk [tilespmem:v19+s3+$0x50 ss:$0x1], $0xffff;
	v28 =	vunpack.i.u.bf16.f32 v28;
	v53 =	vmul.f32 v22, v10;
	v22 =	vmax.bf16 v29, v33  }
0x88: {  	v39 =	vld.idx.msk [tilespmem:v19+s3+$0x4040 ss:$0x1], $0xffff;
	v55 =	vunpack.i.u.bf16.f32 v22;
	v56 =	vunpack.i.l.bf16.f32 v22;
	v23 =	vadd.f32 $0.0e+00, v23  }
0x89: {  	v43 =	vld.idx.msk [tilespmem:v19+s3+$0x2030 ss:$0x1], $0xffff;
	v41 =	vmul.f32 v56, v3;
	v40 =	vmul.f32 v55, v11;
	v37 =	vadd.f32 $0.0e+00, v53  }
0x8a: {  	v36 =	vld.idx.msk [tilespmem:v19+s3+$0x2020 ss:$0x1], $0xffff;
	v21 =	vunpack.i.l.bf16.f32 v21;
	v49 =	vunpack.i.u.bf16.f32 v20;
	v60 =	vmul.f32 v58, v4  }
0x8b: {  	v26 =	vld.idx.msk [tilespmem:v19+s11+$0x2070 ss:$0x1], $0xffff;
	v28 =	vmul.f32 v28, v12;
	v23 =	vadd.f32 v41, v23;
	v37 =	vadd.f32 v40, v37  }
0x8c: {  	v31 =	vld.idx.msk [tilespmem:v19+s3+$0x40 ss:$0x1], $0xffff;
	v42 =	vunpack.i.u.bf16.f32 v24;
	v24 =	vunpack.i.l.bf16.f32 v24;
	v34 =	vmul.f32 v51, v13  }
0x8d: {  	v32 =	vld.idx.msk [tilespmem:v19+s3+$0x6030 ss:$0x1], $0xffff;
	v25 =	vmul.f32 v25, v5;
	v23 =	vadd.f32 v60, v23;
	v28 =	vadd.f32 v28, v37  }
0x8e: {  	v54 =	vld.idx.msk [tilespmem:v19+s3+$0x2000 ss:$0x1], $0xffff;
	v20 =	vunpack.i.l.bf16.f32 v20;
	v21 =	vmul.f32 v21, v6;
	v30 =	vmul.f32 v30, v14  }
0x8f: {  	v57 =	vld.idx.msk [tilespmem:v19+s3+$0x2050 ss:$0x1], $0xffff;
	v20 =	vmul.f32 v20, v7;
	v25 =	vadd.f32 v25, v23;
	v28 =	vadd.f32 v34, v28  }
0x90: {  	v29 =	vld.idx.msk [tilespmem:v19+s3+$0x2040 ss:$0x1], $0xffff;
	v35 =	vmax.bf16 v35, v52;
	v26 =	vmax.bf16 v27, v26;
	v27 =	vmul.f32 v49, v15  }
0x91: {  	v51 =	vld.idx.msk [tilespmem:v19+s3+$0x2010 ss:$0x1], $0xffff;
	v26 =	vmax.bf16 v26, v35;
	v21 =	vadd.f32 v21, v25;
	v25 =	vadd.f32 v30, v28  }
0x92: {  	v24 =	vmul.f32 v24, v8;
	v58 =	vld.idx.msk [tilespmem:v19+s3+$0x4050 ss:$0x1], $0xffff;
	v53 =	vunpack.i.l.bf16.f32 v26  }
0x93: {  	v22 =	vld.idx.msk [tilespmem:v19+s3+$0x6060 ss:$0x1], $0xffff;
	v30 =	vmul.f32 v42, v16;
	v20 =	vadd.f32 v20, v21;
	v21 =	vadd.f32 v27, v25  }
0x94: {  	v28 =	vld.idx.msk [tilespmem:v19+s3+$0x10 ss:$0x1], $0xffff;
	v25 =	vunpack.i.u.bf16.f32 v26;
	v26 =	vmul.f32 v53, v9  }
0x95: {  	v52 =	vld.idx.msk [tilespmem:v19+s3+$0x6000 ss:$0x1], $0xffff;
	v25 =	vmul.f32 v25, v17;
	v24 =	vadd.f32 v24, v20;
	v30 =	vadd.f32 v30, v21  }
0x96: {  	v55 =	vld.idx.msk [tilespmem:v19+s3+$0x0 ss:$0x1], $0xffff  }
0x97: {  	v60 =	vld.idx.msk [tilespmem:v19+s3+$0x6050 ss:$0x1], $0xffff;
	v24 =	vadd.f32 v26, v24;
	v26 =	vadd.f32 v25, v30  }
0x98: {  	v32 =	vmax.bf16 v59, v32;
	v38 =	vmax.bf16 v38, v57;
	v27 =	vld.idx.msk [tilespmem:v19+s3+$0x4000 ss:$0x1], $0xffff  }
0x99: {  	s11 =	simm.s32 $0x0;
	v56 =	vld.idx.msk [tilespmem:v19+s3+$0x6010 ss:$0x1], $0xffff;
	v29 =	vmax.bf16 v31, v29;
	v59 =	vmax.bf16 v28, v51;
	v28 =	vadd.f32 v24, v26  }
0x9a: {  	v35 =	vld.idx.msk [tilespmem:v19+s3+$0x4060 ss:$0x1], $0xffff;
	v20 =	vimm.f32 $0.0e+00;
	v21 =	vmov s11;
	v25 =	vmax.bf16 v63, v62  }
0x9b: {  	v30 =	vmax.bf16 v61, v43;
	v61 =	vmax.bf16 v39, v48;
	v62 =	vmax.bf16 v55, v54;
	(xrf2) =	vadd.scan.msk.f32 $0xffff, v28  }
0x9c: {  	v37 =	vld.idx.msk [tilespmem:v19+s3+$0x2060 ss:$0x1], $0xffff;
	v39 =	vmax.bf16 v58, v60;
	v29 =	vmax.bf16 v29, v61;
	v24 =	vmax.bf16 v30, v32  }
0x9d: {  	v23 =	vld.idx.msk [tilespmem:v19+s3+$0x20 ss:$0x1], $0xffff;
	v26 =	vmax.bf16 v27, v52;
	v31 =	vunpack.i.u.bf16.f32 v29;
	v27 =	vunpack.i.u.bf16.f32 v24  }
0x9e: {  	v34 =	vld.idx.msk [tilespmem:v19+s3+$0x60 ss:$0x1], $0xffff;
	v30 =	vunpack.i.l.bf16.f32 v24;
	v24 =	vmul.f32 v27, v13;
	v27 =	vmax.bf16 v62, v26  }
0x9f: {  	v32 =	vld.idx.msk [tilespmem:v19+s3+$0x2070 ss:$0x1], $0xffff;
	v26 =	vmul.f32 v30, v5;
	v28 =	vunpack.i.l.bf16.f32 v29;
	v29 =	vmax.bf16 v50, v56  }
0xa0: {  	v30 =	vld.idx.msk [tilespmem:v19+s3+$0x70 ss:$0x1], $0xffff;
	v63 =	vunpack.i.u.bf16.f32 v27;
	v27 =	vunpack.i.l.bf16.f32 v27;
	v28 =	vmul.f32 v28, v6  }
0xa1: {  	s19 =	simm.s32 $0x400;
	v41 =	vmax.bf16 v59, v29;
	v29 =	vld.idx.msk [tilespmem:v19+s3+$0x4070 ss:$0x1], $0xffff;
	v33 =	vmul.f32 v63, v10;
	v40 =	vmul.f32 v27, v2  }
.LBB2_6:
0xa2: {  	s18 =	smov.u32 s19  }
0xa3: {  	v42 =	vunpack.i.u.bf16.f32 v41;
	v41 =	vunpack.i.l.bf16.f32 v41;
	v43 =	vmax.bf16 v34, v37;
	v37 =	vld.idx.msk [tilespmem:v19+s3+$0x6070 ss:$0x1], $0xffff;
	s3 =	sshra.s32 s19, $0x2;
	s11 =	sadd.s32 $0x1, s11;
	s18 =	sadd.s32 $0x200, s19  }
0xa4: {  	p1 =	sne.s32 s19, $0x1E00;
	v22 =	vmax.bf16 v35, v22;
	v40 =	vadd.f32 $0.0e+00, v40;
	v41 =	vmul.f32 v41, v3;
	v27 =	vld.idx.msk [tilespmem:v19+s3+$0x50 ss:$0x1], $0xffff  }
0xa5: {  	v23 =	vmax.bf16 v23, v36;
	v36 =	vmax.bf16 v38, v39;
	v22 =	vmax.bf16 v43, v22;
	v35 =	vld.idx.msk [tilespmem:v19+s3+$0x40 ss:$0x1], $0xffff;
	v34, _, _ =	vpop (xrf2)  }
0xa6: {  	v31 =	vmul.f32 v31, v14;
	v39 =	vunpack.i.u.bf16.f32 v36;
	v38 =	vld.idx.msk [tilespmem:v19+s3+$0x4040 ss:$0x1], $0xffff;
	(v2sf) =	vpush v34, $0xF  }
0xa7: {  	v44 =	vunpack.i.l.bf16.f32 v22;
	v30 =	vmax.bf16 v30, v32;
	v34 =	vunpack.i.u.bf16.f32 v22;
	v43 =	vld.idx.msk [tilespmem:v19+s3+$0x2040 ss:$0x1], $0xffff  }
0xa8: {  	v23 =	vmax.bf16 v23, v25;
	v32 =	vmul.f32 v42, v11;
	v25 =	vmul.f32 v39, v15;
	v22 =	vld.idx.msk [tilespmem:v19+s3+$0x6060 ss:$0x1], $0xffff  }
0xa9: {  	v33 =	vadd.f32 $0.0e+00, v33;
	v36 =	vunpack.i.l.bf16.f32 v36;
	v40 =	vadd.f32 v41, v40;
	v39 =	vld.idx.msk [tilespmem:v19+s3+$0x2030 ss:$0x1], $0xffff  }
0xaa: {  	v42 =	vunpack.i.u.bf16.f32 v23;
	v23 =	vunpack.i.l.bf16.f32 v23;
	v34 =	vmul.f32 v34, v16;
	v41 =	vld.idx.msk [tilespmem:v19+s3+$0x6030 ss:$0x1], $0xffff  }
0xab: {  	v23 =	vmul.f32 v23, v4;
	v32 =	vadd.f32 v32, v33;
	v33 =	vmul.f32 v42, v12;
	v45 =	vld.idx.msk [tilespmem:v19+s3+$0x4030 ss:$0x1], $0xffff  }
0xac: {  	v36 =	vmul.f32 v36, v7;
	v29 =	vmax.bf16 v29, v37;
	v37 =	vmov s11;
	v42 =	vld.idx.msk [tilespmem:v19+s3+$0x30 ss:$0x1], $0xffff  }
0xad: {  	v23 =	vadd.f32 v23, v40;
	v29 =	vmax.bf16 v30, v29;
	v32 =	vadd.f32 v33, v32;
	v46 =	vld.idx.msk [tilespmem:v19+s3+$0x6020 ss:$0x1], $0xffff  }
0xae: {  	v33 =	vmul.f32 v44, v8;
	v40 =	vunpack.i.u.bf16.f32 v29;
	v29 =	vunpack.i.l.bf16.f32 v29;
	v30 =	vld.idx.msk [tilespmem:v19+s3+$0x4020 ss:$0x1], $0xffff  }
0xaf: {  	v26 =	vadd.f32 v26, v23;
	v24 =	vadd.f32 v24, v32;
	v44 =	vld.idx.msk [tilespmem:v19+s3+$0x6040 ss:$0x1], $0xffff  }
0xb0: {  	v23 =	vld.idx.msk [tilespmem:v19+s3+$0x20 ss:$0x1], $0xffff  }
0xb1: {  	v26 =	vadd.f32 v28, v26;
	v24 =	vadd.f32 v31, v24;
	v32 =	vld.idx.msk [tilespmem:v19+s3+$0x4010 ss:$0x1], $0xffff  }
0xb2: {  	v28 =	vld.idx.msk [tilespmem:v19+s3+$0x2010 ss:$0x1], $0xffff  }
0xb3: {  	v26 =	vadd.f32 v36, v26;
	v24 =	vadd.f32 v25, v24;
	v31 =	vld.idx.msk [tilespmem:v19+s3+$0x10 ss:$0x1], $0xffff  }
0xb4: {  	v29 =	vmul.f32 v29, v9;
	v40 =	vmul.f32 v40, v17;
	v36 =	vld.idx.msk [tilespmem:v19+s3+$0x6000 ss:$0x1], $0xffff  }
0xb5: {  	v26 =	vadd.f32 v33, v26;
	v24 =	vadd.f32 v34, v24;
	v25 =	vmax.bf16 v30, v46;
	v47 =	vld.idx.msk [tilespmem:v19+s3+$0x4000 ss:$0x1], $0xffff;
	s19 =	spop (v2sf)  }
0xb6: {  	v30 =	vld.idx.msk [tilespmem:v19+s3+$0x2000 ss:$0x1], $0xffff;
	s19 =	sadd.f32 s19, s30  }
0xb7: {  	vm0 =	veq.s32 v21, v1;
	v26 =	vadd.f32 v29, v26;
	v24 =	vadd.f32 v40, v24;
	v33 =	vld.idx.msk [tilespmem:v19+s3+$0x0 ss:$0x1], $0xffff  }
0xb8: {  	v21 =	vmov v37;
	v34 =	vmax.bf16 v42, v39;
	v29 =	vld.idx.msk [tilespmem:v19+s3+$0x6010 ss:$0x1], $0xffff;
	v20 =	vsel vm0, s19, v20  }
0xb9: {  	v24 =	vadd.f32 v26, v24;
	v39 =	vmax.bf16 v31, v28;
	v28 =	vmax.bf16 v45, v41;
	v42 =	vld.idx.msk [tilespmem:v19+s3+$0x2050 ss:$0x1], $0xffff  }
0xba: {  	v26 =	vmax.bf16 v34, v28;
	v45 =	vld.idx.msk [tilespmem:v19+s3+$0x4050 ss:$0x1], $0xffff  }
0xbb: {  	v28 =	vmax.bf16 v47, v36;
	v31 =	vunpack.i.u.bf16.f32 v26;
	v26 =	vunpack.i.l.bf16.f32 v26;
	v46 =	vld.idx.msk [tilespmem:v19+s3+$0x6050 ss:$0x1], $0xffff;
	(xrf2) =	vadd.scan.msk.f32 $0xffff, v24  }
0xbc: {  	v36 =	vmax.bf16 v38, v44;
	v34 =	vld.idx.msk [tilespmem:v19+s3+$0x60 ss:$0x1], $0xffff  }
0xbd: {  	v24 =	vmul.f32 v31, v13;
	v31 =	vmax.bf16 v35, v43;
	v30 =	vmax.bf16 v33, v30;
	v37 =	vld.idx.msk [tilespmem:v19+s3+$0x2060 ss:$0x1], $0xffff  }
.Ltmp1:
0xbe: {  	v26 =	vmul.f32 v26, v5;
	v28 =	vmax.bf16 v30, v28;
	v30 =	vmax.bf16 v31, v36;
	v35 =	vld.idx.msk [tilespmem:v19+s3+$0x4060 ss:$0x1], $0xffff;
	(pc) =	sbr.rel @p1 .LBB2_6-.Ltmp1, $4  }
0xbf: {  	v33 =	vunpack.i.u.bf16.f32 v28;
	v31 =	vunpack.i.u.bf16.f32 v30;
	v30 =	vunpack.i.l.bf16.f32 v30;
	v36 =	vld.idx.msk [tilespmem:v19+s3+$0x2020 ss:$0x1], $0xffff  }
0xc0: {  	v29 =	vmax.bf16 v32, v29;
	v38 =	vunpack.i.l.bf16.f32 v28;
	v28 =	vmul.f32 v30, v6;
	v30 =	vld.idx.msk [tilespmem:v19+s3+$0x70 ss:$0x1], $0xffff  }
0xc1: {  	v41 =	vmax.bf16 v39, v29;
	v33 =	vmul.f32 v33, v10;
	v32 =	vld.idx.msk [tilespmem:v19+s3+$0x2070 ss:$0x1], $0xffff  }
0xc2: {  	s19 =	smov.u32 s18;
	v40 =	vmul.f32 v38, v2;
	v38 =	vmax.bf16 v27, v42;
	v39 =	vmax.bf16 v45, v46;
	v29 =	vld.idx.msk [tilespmem:v19+s3+$0x4070 ss:$0x1], $0xffff  }
0xc3: {  	v27 =	vunpack.i.u.bf16.f32 v41;
	v48 =	vunpack.i.l.bf16.f32 v41;
	v34 =	vmax.bf16 v34, v37  }
0xc4: {  	v49 =	vadd.f32 $0.0e+00, v40;
	v50 =	vmul.f32 v48, v3;
	v23 =	vmax.bf16 v23, v36  }
0xc5: {  	v51 =	vadd.f32 $0.0e+00, v33;
	v27 =	vmul.f32 v27, v11;
	v23 =	vmax.bf16 v23, v25  }
0xc6: {  	v52 =	vadd.f32 v50, v49;
	v53 =	vunpack.i.u.bf16.f32 v23;
	v23 =	vunpack.i.l.bf16.f32 v23  }
0xc7: {  	v25 =	vadd.f32 v27, v51;
	v23 =	vmul.f32 v23, v4;
	v54 =	vmul.f32 v53, v12  }
0xc8: {  	v22 =	vmax.bf16 v35, v22;
	v19 =	vld.idx.msk [tilespmem:v19+s3+$0x6070 ss:$0x1], $0xffff;
	v55 =	vmax.bf16 v38, v39;
	v31 =	vmul.f32 v31, v14  }
0xc9: {  	v22 =	vmax.bf16 v34, v22;
	v23 =	vadd.f32 v23, v52;
	v25 =	vadd.f32 v54, v25  }
0xca: {  	v56 =	vunpack.i.u.bf16.f32 v55;
	v58 =	vunpack.i.l.bf16.f32 v55;
	v57 =	vunpack.i.u.bf16.f32 v22  }
0xcb: {  	v22 =	vunpack.i.l.bf16.f32 v22;
	v23 =	vadd.f32 v26, v23;
	v24 =	vadd.f32 v24, v25  }
0xcc: {  	v60 =	vmul.f32 v56, v15;
	v61 =	vmul.f32 v58, v7;
	v59 =	vmax.bf16 v30, v32  }
0xcd: {  	v19 =	vmax.bf16 v29, v19;
	v23 =	vadd.f32 v28, v23;
	v24 =	vadd.f32 v31, v24  }
0xce: {  	v62 =	vmul.f32 v57, v16;
	v22 =	vmul.f32 v22, v8;
	v19 =	vmax.bf16 v59, v19  }
0xcf: {  	v25 =	vunpack.i.l.bf16.f32 v19;
	v23 =	vadd.f32 v61, v23;
	v24 =	vadd.f32 v60, v24  }
0xd0: {  	v19 =	vunpack.i.u.bf16.f32 v19;
	v25 =	vmul.f32 v25, v9  }
0xd1: {  	v19 =	vmul.f32 v19, v17;
	v22 =	vadd.f32 v22, v23;
	v63 =	vadd.f32 v62, v24;
	_ =	sdelay $0x1  }
0xd2: {  	v22 =	vadd.f32 v25, v22;
	v19 =	vadd.f32 v19, v63;
	_ =	sdelay $0x1  }
0xd3: {  	v19 =	vadd.f32 v22, v19;
	_ =	sdelay $0x1  }
0xd4: {  	(xrf2) =	vadd.scan.msk.f32 $0xffff, v19;
	_ =	sdelay $0x6  }
0xd5: {  	v19, _, _ =	vpop (xrf2)  }
0xd6: {  	(v2sf) =	vpush v19, $0xF;
	_ =	sdelay $0x1  }
0xd7: {  	v19, _, _ =	vpop (xrf2)  }
0xd8: {  	(v2sf) =	vpush v19, $0xF;
	_ =	sdelay $0xb  }
0xd9: {  	s19 =	spop (v2sf)  }
0xda: {  	s3 =	sadd.f32 s19, s30;
	s19 =	sshll.u32 s0, $0x4;
	s0 =	sadd.s32 $0x1, s0  }
0xdb: {  	p1 =	sne.s32 s0, $0x4  }
.Ltmp2:
0xdc: {  	s11 =	sadd.s32 $0x1, s11;
	s18 =	spop (v2sf);
	(pc) =	sbr.rel @p1 .LBB2_5-.Ltmp2, $4  }
0xdd: {  	vm0 =	veq.s32 v21, v1;
	v19 =	vmov s11;
	s18 =	sadd.f32 s18, s30  }
0xde: {  	vm15 =	veq.s32 v19, v1;
	v20 =	vsel vm0, s3, v20  }
0xdf: {  	s19 =	sand.u32 $0x3FFFFFF0, s19;
	v19 =	vsel vm15, s18, v20  }
0xe0: {  	s2 =	sadd.s32 $0x800, s2;
	[tilespmem:v18+s19+$0x0 ss:$0x1] =	vst.idx.msk $0xffff, v19  }
0xe1: {  	s0 =	simm.s32 @p0 $0x40;
	s2 =	simm.s32 @p0 $0x10080;
	s3 =	simm.s32 @p0 $0x0  }
0xe2: {  	[tilespmem:s3], [sflag:$0x1] =	stream.indirect.gather @p0 [hbm4b:s1+s0], $0x80, s2, s0, $0xb8;
	[tilespmem:$0x10610] =	vst v63  }
0xe3: {  	s2 =	simm.s32 @p0 $0x10180;
	s3 =	simm.s32 @p0 $0x2000  }
0xe4: {  	[tilespmem:s3], [sflag:$0x1] =	stream.indirect.gather @p0 [hbm4b:s1+s0], $0x80, s2, s0, $0xb8;
	[tilespmem:$0x10610] =	vst v63  }
0xe5: {  	s2 =	simm.s32 @p0 $0x10280;
	s3 =	simm.s32 @p0 $0x4000  }
0xe6: {  	[tilespmem:s3], [sflag:$0x1] =	stream.indirect.gather @p0 [hbm4b:s1+s0], $0x80, s2, s0, $0xb8;
	[tilespmem:$0x10610] =	vst v63  }
0xe7: {  	s2 =	simm.s32 @p0 $0x10380;
	s3 =	simm.s32 @p0 $0x6000  }
0xe8: {  	[tilespmem:s3], [sflag:$0x1] =	stream.indirect.gather @p0 [hbm4b:s1+s0], $0x80, s2, s0, $0xb8;
	[tilespmem:$0x10610] =	vst v63  }
0xe9: {  	_ =	swait.ge [sflag:s26], $0x2000  }
0xea: {  	[sflag:s26] =	ssyncset.done $0x0  }
0xeb: {  	[sflag:s26] =	ssyncadd.s32 $0xFFFFE000  }
0xec: {  	_ =	swait.ge [sflag:s26], $0x2000  }
0xed: {  	[sflag:s26] =	ssyncset.done $0x0  }
0xee: {  	[sflag:s26] =	ssyncadd.s32 $0xFFFFE000  }
0xef: {  	_ =	swait.ge [sflag:s26], $0x2000  }
0xf0: {  	[sflag:s26] =	ssyncset.done $0x0  }
0xf1: {  	[sflag:s26] =	ssyncadd.s32 $0xFFFFE000  }
0xf2: {  	_ =	swait.ge [sflag:s26], $0x2000  }
0xf3: {  	s19 =	sadd.s32 $0x10550, s31;
	s31 =	simm.s32 $0x0;
	[sflag:s26] =	ssyncset.done $0x0  }
0xf4: {  	v18 =	vmov s19;
	s2 =	simm.s32 $0x0;
	s0 =	simm.s32 $0x0;
	[sflag:s26] =	ssyncadd.s32 $0xFFFFE000  }
.LBB2_9:
0xf5: {  	v19 =	vmov s2;
	_ =	sdelay $0x3  }
0xf6: {  	s11 =	simm.s32 $0x0  }
0xf7: {  	v20 =	vld.idx.msk [tilespmem:v19+s11+$0x8050 ss:$0x1], $0xffff  }
0xf8: {  	v21 =	vld.idx.msk [tilespmem:v19+s11+$0x8040 ss:$0x1], $0xffff  }
0xf9: {  	v22 =	vld.idx.msk [tilespmem:v19+s11+$0xC040 ss:$0x1], $0xffff  }
0xfa: {  	v23 =	vld.idx.msk [tilespmem:v19+s11+$0xA040 ss:$0x1], $0xffff  }
0xfb: {  	v24 =	vld.idx.msk [tilespmem:v19+s11+$0xE060 ss:$0x1], $0xffff  }
0xfc: {  	v25 =	vld.idx.msk [tilespmem:v19+s11+$0xA030 ss:$0x1], $0xffff  }
0xfd: {  	v26 =	vld.idx.msk [tilespmem:v19+s11+$0xE030 ss:$0x1], $0xffff  }
0xfe: {  	v27 =	vld.idx.msk [tilespmem:v19+s11+$0xC030 ss:$0x1], $0xffff  }
0xff: {  	v28 =	vld.idx.msk [tilespmem:v19+s11+$0x8030 ss:$0x1], $0xffff  }
0x100: {  	v29 =	vld.idx.msk [tilespmem:v19+s11+$0xE020 ss:$0x1], $0xffff  }
0x101: {  	v30 =	vld.idx.msk [tilespmem:v19+s11+$0xC020 ss:$0x1], $0xffff  }
0x102: {  	v31 =	vld.idx.msk [tilespmem:v19+s11+$0xE040 ss:$0x1], $0xffff  }
0x103: {  	v32 =	vld.idx.msk [tilespmem:v19+s11+$0x8020 ss:$0x1], $0xffff  }
0x104: {  	v33 =	vld.idx.msk [tilespmem:v19+s11+$0xC010 ss:$0x1], $0xffff  }
0x105: {  	v34 =	vld.idx.msk [tilespmem:v19+s11+$0xA010 ss:$0x1], $0xffff  }
0x106: {  	v35 =	vld.idx.msk [tilespmem:v19+s11+$0x8010 ss:$0x1], $0xffff  }
0x107: {  	v36 =	vld.idx.msk [tilespmem:v19+s11+$0xE000 ss:$0x1], $0xffff  }
0x108: {  	v37 =	vld.idx.msk [tilespmem:v19+s11+$0xC000 ss:$0x1], $0xffff  }
0x109: {  	v38 =	vld.idx.msk [tilespmem:v19+s11+$0xA000 ss:$0x1], $0xffff  }
0x10a: {  	v39 =	vld.idx.msk [tilespmem:v19+s11+$0x8000 ss:$0x1], $0xffff  }
0x10b: {  	v40 =	vld.idx.msk [tilespmem:v19+s11+$0xE010 ss:$0x1], $0xffff  }
0x10c: {  	v41 =	vld.idx.msk [tilespmem:v19+s11+$0xA050 ss:$0x1], $0xffff  }
0x10d: {  	v42 =	vld.idx.msk [tilespmem:v19+s11+$0xC050 ss:$0x1], $0xffff  }
0x10e: {  	v43 =	vld.idx.msk [tilespmem:v19+s11+$0xE050 ss:$0x1], $0xffff  }
0x10f: {  	v44 =	vld.idx.msk [tilespmem:v19+s11+$0x8060 ss:$0x1], $0xffff  }
0x110: {  	v45 =	vld.idx.msk [tilespmem:v19+s11+$0xA060 ss:$0x1], $0xffff  }
0x111: {  	v46 =	vld.idx.msk [tilespmem:v19+s11+$0xC060 ss:$0x1], $0xffff  }
0x112: {  	v47 =	vld.idx.msk [tilespmem:v19+s11+$0xA020 ss:$0x1], $0xffff  }
0x113: {  	s3 =	simm.s32 $0x80;
	v52 =	vld.idx.msk [tilespmem:v19+s11+$0xE070 ss:$0x1], $0xffff;
	v25 =	vmax.bf16 v28, v25;
	v26 =	vmax.bf16 v27, v26;
	v28 =	vmax.bf16 v30, v29  }
0x114: {  	v59 =	vld.idx.msk [tilespmem:v19+s3+$0xC030 ss:$0x1], $0xffff;
	v29 =	vmax.bf16 v35, v34;
	v30 =	vmax.bf16 v37, v36;
	v22 =	vmax.bf16 v22, v31  }
0x115: {  	v61 =	vld.idx.msk [tilespmem:v19+s3+$0x8030 ss:$0x1], $0xffff;
	v31 =	vmax.bf16 v39, v38;
	v21 =	vmax.bf16 v21, v23;
	v33 =	vmax.bf16 v33, v40  }
0x116: {  	v62 =	vld.idx.msk [tilespmem:v19+s3+$0xE020 ss:$0x1], $0xffff;
	v20 =	vmax.bf16 v20, v41;
	v54 =	vmax.bf16 v42, v43;
	v57 =	vmax.bf16 v44, v45  }
0x117: {  	v63 =	vld.idx.msk [tilespmem:v19+s3+$0xC020 ss:$0x1], $0xffff;
	v32 =	vmax.bf16 v32, v47;
	v24 =	vmax.bf16 v46, v24;
	v25 =	vmax.bf16 v25, v26  }
0x118: {  	v48 =	vld.idx.msk [tilespmem:v19+s3+$0xE040 ss:$0x1], $0xffff;
	v23 =	vmax.bf16 v31, v30;
	v21 =	vmax.bf16 v21, v22;
	v28 =	vmax.bf16 v32, v28  }
0x119: {  	v50 =	vld.idx.msk [tilespmem:v19+s3+$0xC010 ss:$0x1], $0xffff;
	v20 =	vmax.bf16 v20, v54;
	v24 =	vmax.bf16 v57, v24;
	v51 =	vunpack.i.u.bf16.f32 v25  }
0x11a: {  	v27 =	vld.idx.msk [tilespmem:v19+s11+$0x8070 ss:$0x1], $0xffff;
	v25 =	vunpack.i.l.bf16.f32 v25;
	v22 =	vunpack.i.u.bf16.f32 v23;
	v23 =	vunpack.i.l.bf16.f32 v23  }
0x11b: {  	v35 =	vld.idx.msk [tilespmem:v19+s11+$0xC070 ss:$0x1], $0xffff;
	v30 =	vunpack.i.u.bf16.f32 v21;
	v58 =	vunpack.i.l.bf16.f32 v28;
	v23 =	vmul.f32 v23, v2  }
0x11c: {  	v38 =	vld.idx.msk [tilespmem:v19+s3+$0x8050 ss:$0x1], $0xffff;
	v28 =	vunpack.i.u.bf16.f32 v28;
	v53 =	vmul.f32 v22, v10;
	v22 =	vmax.bf16 v29, v33  }
0x11d: {  	v39 =	vld.idx.msk [tilespmem:v19+s3+$0xC040 ss:$0x1], $0xffff;
	v55 =	vunpack.i.u.bf16.f32 v22;
	v56 =	vunpack.i.l.bf16.f32 v22;
	v23 =	vadd.f32 $0.0e+00, v23  }
0x11e: {  	v43 =	vld.idx.msk [tilespmem:v19+s3+$0xA030 ss:$0x1], $0xffff;
	v41 =	vmul.f32 v56, v3;
	v40 =	vmul.f32 v55, v11;
	v37 =	vadd.f32 $0.0e+00, v53  }
0x11f: {  	v36 =	vld.idx.msk [tilespmem:v19+s3+$0xA020 ss:$0x1], $0xffff;
	v21 =	vunpack.i.l.bf16.f32 v21;
	v49 =	vunpack.i.u.bf16.f32 v20;
	v60 =	vmul.f32 v58, v4  }
0x120: {  	v26 =	vld.idx.msk [tilespmem:v19+s11+$0xA070 ss:$0x1], $0xffff;
	v28 =	vmul.f32 v28, v12;
	v23 =	vadd.f32 v41, v23;
	v37 =	vadd.f32 v40, v37  }
0x121: {  	v31 =	vld.idx.msk [tilespmem:v19+s3+$0x8040 ss:$0x1], $0xffff;
	v42 =	vunpack.i.u.bf16.f32 v24;
	v24 =	vunpack.i.l.bf16.f32 v24;
	v34 =	vmul.f32 v51, v13  }
0x122: {  	v32 =	vld.idx.msk [tilespmem:v19+s3+$0xE030 ss:$0x1], $0xffff;
	v25 =	vmul.f32 v25, v5;
	v23 =	vadd.f32 v60, v23;
	v28 =	vadd.f32 v28, v37  }
0x123: {  	v54 =	vld.idx.msk [tilespmem:v19+s3+$0xA000 ss:$0x1], $0xffff;
	v20 =	vunpack.i.l.bf16.f32 v20;
	v21 =	vmul.f32 v21, v6;
	v30 =	vmul.f32 v30, v14  }
0x124: {  	v57 =	vld.idx.msk [tilespmem:v19+s3+$0xA050 ss:$0x1], $0xffff;
	v20 =	vmul.f32 v20, v7;
	v25 =	vadd.f32 v25, v23;
	v28 =	vadd.f32 v34, v28  }
0x125: {  	v29 =	vld.idx.msk [tilespmem:v19+s3+$0xA040 ss:$0x1], $0xffff;
	v35 =	vmax.bf16 v35, v52;
	v26 =	vmax.bf16 v27, v26;
	v27 =	vmul.f32 v49, v15  }
0x126: {  	v51 =	vld.idx.msk [tilespmem:v19+s3+$0xA010 ss:$0x1], $0xffff;
	v26 =	vmax.bf16 v26, v35;
	v21 =	vadd.f32 v21, v25;
	v25 =	vadd.f32 v30, v28  }
0x127: {  	v24 =	vmul.f32 v24, v8;
	v58 =	vld.idx.msk [tilespmem:v19+s3+$0xC050 ss:$0x1], $0xffff;
	v53 =	vunpack.i.l.bf16.f32 v26  }
0x128: {  	v22 =	vld.idx.msk [tilespmem:v19+s3+$0xE060 ss:$0x1], $0xffff;
	v30 =	vmul.f32 v42, v16;
	v20 =	vadd.f32 v20, v21;
	v21 =	vadd.f32 v27, v25  }
0x129: {  	v28 =	vld.idx.msk [tilespmem:v19+s3+$0x8010 ss:$0x1], $0xffff;
	v25 =	vunpack.i.u.bf16.f32 v26;
	v26 =	vmul.f32 v53, v9  }
0x12a: {  	v52 =	vld.idx.msk [tilespmem:v19+s3+$0xE000 ss:$0x1], $0xffff;
	v25 =	vmul.f32 v25, v17;
	v24 =	vadd.f32 v24, v20;
	v30 =	vadd.f32 v30, v21  }
0x12b: {  	v55 =	vld.idx.msk [tilespmem:v19+s3+$0x8000 ss:$0x1], $0xffff  }
0x12c: {  	v60 =	vld.idx.msk [tilespmem:v19+s3+$0xE050 ss:$0x1], $0xffff;
	v24 =	vadd.f32 v26, v24;
	v26 =	vadd.f32 v25, v30  }
0x12d: {  	v32 =	vmax.bf16 v59, v32;
	v38 =	vmax.bf16 v38, v57;
	v27 =	vld.idx.msk [tilespmem:v19+s3+$0xC000 ss:$0x1], $0xffff  }
0x12e: {  	v56 =	vld.idx.msk [tilespmem:v19+s3+$0xE010 ss:$0x1], $0xffff;
	v29 =	vmax.bf16 v31, v29;
	v59 =	vmax.bf16 v28, v51;
	v28 =	vadd.f32 v24, v26  }
0x12f: {  	v35 =	vld.idx.msk [tilespmem:v19+s3+$0xC060 ss:$0x1], $0xffff;
	v20 =	vimm.f32 $0.0e+00;
	v21 =	vmov s31;
	v25 =	vmax.bf16 v63, v62  }
0x130: {  	v30 =	vmax.bf16 v61, v43;
	v61 =	vmax.bf16 v39, v48;
	v62 =	vmax.bf16 v55, v54;
	(xrf2) =	vadd.scan.msk.f32 $0xffff, v28  }
0x131: {  	v37 =	vld.idx.msk [tilespmem:v19+s3+$0xA060 ss:$0x1], $0xffff;
	v39 =	vmax.bf16 v58, v60;
	v29 =	vmax.bf16 v29, v61;
	v24 =	vmax.bf16 v30, v32  }
0x132: {  	v23 =	vld.idx.msk [tilespmem:v19+s3+$0x8020 ss:$0x1], $0xffff;
	v26 =	vmax.bf16 v27, v52;
	v31 =	vunpack.i.u.bf16.f32 v29;
	v27 =	vunpack.i.u.bf16.f32 v24  }
0x133: {  	v34 =	vld.idx.msk [tilespmem:v19+s3+$0x8060 ss:$0x1], $0xffff;
	v30 =	vunpack.i.l.bf16.f32 v24;
	v24 =	vmul.f32 v27, v13;
	v27 =	vmax.bf16 v62, v26  }
0x134: {  	v32 =	vld.idx.msk [tilespmem:v19+s3+$0xA070 ss:$0x1], $0xffff;
	v26 =	vmul.f32 v30, v5;
	v28 =	vunpack.i.l.bf16.f32 v29;
	v29 =	vmax.bf16 v50, v56  }
0x135: {  	v30 =	vld.idx.msk [tilespmem:v19+s3+$0x8070 ss:$0x1], $0xffff;
	v63 =	vunpack.i.u.bf16.f32 v27;
	v27 =	vunpack.i.l.bf16.f32 v27;
	v28 =	vmul.f32 v28, v6  }
0x136: {  	s18 =	simm.s32 $0x400;
	s11 =	simm.s32 $0x0;
	v41 =	vmax.bf16 v59, v29;
	v29 =	vld.idx.msk [tilespmem:v19+s3+$0xC070 ss:$0x1], $0xffff;
	v33 =	vmul.f32 v63, v10;
	v40 =	vmul.f32 v27, v2  }
.LBB2_10:
0x137: {  	s19 =	smov.u32 s18  }
0x138: {  	v42 =	vunpack.i.u.bf16.f32 v41;
	v41 =	vunpack.i.l.bf16.f32 v41;
	v43 =	vmax.bf16 v34, v37;
	v37 =	vld.idx.msk [tilespmem:v19+s3+$0xE070 ss:$0x1], $0xffff;
	s3 =	sshra.s32 s18, $0x2;
	s11 =	sadd.s32 $0x1, s11;
	s19 =	sadd.s32 $0x200, s18  }
0x139: {  	p1 =	sne.s32 s18, $0x1E00;
	v22 =	vmax.bf16 v35, v22;
	v40 =	vadd.f32 $0.0e+00, v40;
	v41 =	vmul.f32 v41, v3;
	v27 =	vld.idx.msk [tilespmem:v19+s3+$0x8050 ss:$0x1], $0xffff  }
0x13a: {  	v23 =	vmax.bf16 v23, v36;
	v36 =	vmax.bf16 v38, v39;
	v22 =	vmax.bf16 v43, v22;
	v35 =	vld.idx.msk [tilespmem:v19+s3+$0x8040 ss:$0x1], $0xffff;
	v34, _, _ =	vpop (xrf2)  }
0x13b: {  	v31 =	vmul.f32 v31, v14;
	v39 =	vunpack.i.u.bf16.f32 v36;
	v38 =	vld.idx.msk [tilespmem:v19+s3+$0xC040 ss:$0x1], $0xffff;
	(v2sf) =	vpush v34, $0xF  }
0x13c: {  	v44 =	vunpack.i.l.bf16.f32 v22;
	v30 =	vmax.bf16 v30, v32;
	v34 =	vunpack.i.u.bf16.f32 v22;
	v43 =	vld.idx.msk [tilespmem:v19+s3+$0xA040 ss:$0x1], $0xffff  }
0x13d: {  	v23 =	vmax.bf16 v23, v25;
	v32 =	vmul.f32 v42, v11;
	v25 =	vmul.f32 v39, v15;
	v22 =	vld.idx.msk [tilespmem:v19+s3+$0xE060 ss:$0x1], $0xffff  }
0x13e: {  	v33 =	vadd.f32 $0.0e+00, v33;
	v36 =	vunpack.i.l.bf16.f32 v36;
	v40 =	vadd.f32 v41, v40;
	v39 =	vld.idx.msk [tilespmem:v19+s3+$0xA030 ss:$0x1], $0xffff  }
0x13f: {  	v42 =	vunpack.i.u.bf16.f32 v23;
	v23 =	vunpack.i.l.bf16.f32 v23;
	v34 =	vmul.f32 v34, v16;
	v41 =	vld.idx.msk [tilespmem:v19+s3+$0xE030 ss:$0x1], $0xffff  }
0x140: {  	v23 =	vmul.f32 v23, v4;
	v32 =	vadd.f32 v32, v33;
	v33 =	vmul.f32 v42, v12;
	v45 =	vld.idx.msk [tilespmem:v19+s3+$0xC030 ss:$0x1], $0xffff  }
0x141: {  	v36 =	vmul.f32 v36, v7;
	v29 =	vmax.bf16 v29, v37;
	v37 =	vmov s11;
	v42 =	vld.idx.msk [tilespmem:v19+s3+$0x8030 ss:$0x1], $0xffff  }
0x142: {  	v23 =	vadd.f32 v23, v40;
	v29 =	vmax.bf16 v30, v29;
	v32 =	vadd.f32 v33, v32;
	v46 =	vld.idx.msk [tilespmem:v19+s3+$0xE020 ss:$0x1], $0xffff  }
0x143: {  	v33 =	vmul.f32 v44, v8;
	v40 =	vunpack.i.u.bf16.f32 v29;
	v29 =	vunpack.i.l.bf16.f32 v29;
	v30 =	vld.idx.msk [tilespmem:v19+s3+$0xC020 ss:$0x1], $0xffff  }
0x144: {  	v26 =	vadd.f32 v26, v23;
	v24 =	vadd.f32 v24, v32;
	v44 =	vld.idx.msk [tilespmem:v19+s3+$0xE040 ss:$0x1], $0xffff  }
0x145: {  	v23 =	vld.idx.msk [tilespmem:v19+s3+$0x8020 ss:$0x1], $0xffff  }
0x146: {  	v26 =	vadd.f32 v28, v26;
	v24 =	vadd.f32 v31, v24;
	v32 =	vld.idx.msk [tilespmem:v19+s3+$0xC010 ss:$0x1], $0xffff  }
0x147: {  	v28 =	vld.idx.msk [tilespmem:v19+s3+$0xA010 ss:$0x1], $0xffff  }
0x148: {  	v26 =	vadd.f32 v36, v26;
	v24 =	vadd.f32 v25, v24;
	v31 =	vld.idx.msk [tilespmem:v19+s3+$0x8010 ss:$0x1], $0xffff  }
0x149: {  	v29 =	vmul.f32 v29, v9;
	v40 =	vmul.f32 v40, v17;
	v36 =	vld.idx.msk [tilespmem:v19+s3+$0xE000 ss:$0x1], $0xffff  }
0x14a: {  	v26 =	vadd.f32 v33, v26;
	v24 =	vadd.f32 v34, v24;
	v25 =	vmax.bf16 v30, v46;
	v47 =	vld.idx.msk [tilespmem:v19+s3+$0xC000 ss:$0x1], $0xffff;
	s18 =	spop (v2sf)  }
0x14b: {  	v30 =	vld.idx.msk [tilespmem:v19+s3+$0xA000 ss:$0x1], $0xffff;
	s18 =	sadd.f32 s18, s30  }
0x14c: {  	vm0 =	veq.s32 v21, v1;
	v26 =	vadd.f32 v29, v26;
	v24 =	vadd.f32 v40, v24;
	v33 =	vld.idx.msk [tilespmem:v19+s3+$0x8000 ss:$0x1], $0xffff  }
0x14d: {  	v21 =	vmov v37;
	v34 =	vmax.bf16 v42, v39;
	v29 =	vld.idx.msk [tilespmem:v19+s3+$0xE010 ss:$0x1], $0xffff;
	v20 =	vsel vm0, s18, v20  }
0x14e: {  	v24 =	vadd.f32 v26, v24;
	v39 =	vmax.bf16 v31, v28;
	v28 =	vmax.bf16 v45, v41;
	v42 =	vld.idx.msk [tilespmem:v19+s3+$0xA050 ss:$0x1], $0xffff  }
0x14f: {  	v26 =	vmax.bf16 v34, v28;
	v45 =	vld.idx.msk [tilespmem:v19+s3+$0xC050 ss:$0x1], $0xffff  }
0x150: {  	v28 =	vmax.bf16 v47, v36;
	v31 =	vunpack.i.u.bf16.f32 v26;
	v26 =	vunpack.i.l.bf16.f32 v26;
	v46 =	vld.idx.msk [tilespmem:v19+s3+$0xE050 ss:$0x1], $0xffff;
	(xrf2) =	vadd.scan.msk.f32 $0xffff, v24  }
0x151: {  	v36 =	vmax.bf16 v38, v44;
	v34 =	vld.idx.msk [tilespmem:v19+s3+$0x8060 ss:$0x1], $0xffff  }
0x152: {  	v24 =	vmul.f32 v31, v13;
	v31 =	vmax.bf16 v35, v43;
	v30 =	vmax.bf16 v33, v30;
	v37 =	vld.idx.msk [tilespmem:v19+s3+$0xA060 ss:$0x1], $0xffff  }
.Ltmp3:
0x153: {  	v26 =	vmul.f32 v26, v5;
	v28 =	vmax.bf16 v30, v28;
	v30 =	vmax.bf16 v31, v36;
	v35 =	vld.idx.msk [tilespmem:v19+s3+$0xC060 ss:$0x1], $0xffff;
	(pc) =	sbr.rel @p1 .LBB2_10-.Ltmp3, $4  }
0x154: {  	v33 =	vunpack.i.u.bf16.f32 v28;
	v31 =	vunpack.i.u.bf16.f32 v30;
	v30 =	vunpack.i.l.bf16.f32 v30;
	v36 =	vld.idx.msk [tilespmem:v19+s3+$0xA020 ss:$0x1], $0xffff  }
0x155: {  	v29 =	vmax.bf16 v32, v29;
	v38 =	vunpack.i.l.bf16.f32 v28;
	v28 =	vmul.f32 v30, v6;
	v30 =	vld.idx.msk [tilespmem:v19+s3+$0x8070 ss:$0x1], $0xffff  }
0x156: {  	v41 =	vmax.bf16 v39, v29;
	v33 =	vmul.f32 v33, v10;
	v32 =	vld.idx.msk [tilespmem:v19+s3+$0xA070 ss:$0x1], $0xffff  }
0x157: {  	s18 =	smov.u32 s19;
	v40 =	vmul.f32 v38, v2;
	v38 =	vmax.bf16 v27, v42;
	v39 =	vmax.bf16 v45, v46;
	v29 =	vld.idx.msk [tilespmem:v19+s3+$0xC070 ss:$0x1], $0xffff  }
0x158: {  	v27 =	vunpack.i.u.bf16.f32 v41;
	v48 =	vunpack.i.l.bf16.f32 v41;
	v34 =	vmax.bf16 v34, v37  }
0x159: {  	v49 =	vadd.f32 $0.0e+00, v40;
	v50 =	vmul.f32 v48, v3;
	v23 =	vmax.bf16 v23, v36  }
0x15a: {  	v51 =	vadd.f32 $0.0e+00, v33;
	v27 =	vmul.f32 v27, v11;
	v23 =	vmax.bf16 v23, v25  }
0x15b: {  	v52 =	vadd.f32 v50, v49;
	v53 =	vunpack.i.u.bf16.f32 v23;
	v23 =	vunpack.i.l.bf16.f32 v23  }
0x15c: {  	v25 =	vadd.f32 v27, v51;
	v23 =	vmul.f32 v23, v4;
	v54 =	vmul.f32 v53, v12  }
0x15d: {  	v22 =	vmax.bf16 v35, v22;
	v19 =	vld.idx.msk [tilespmem:v19+s3+$0xE070 ss:$0x1], $0xffff;
	v55 =	vmax.bf16 v38, v39;
	v31 =	vmul.f32 v31, v14  }
0x15e: {  	v22 =	vmax.bf16 v34, v22;
	v23 =	vadd.f32 v23, v52;
	v25 =	vadd.f32 v54, v25  }
0x15f: {  	v56 =	vunpack.i.u.bf16.f32 v55;
	v58 =	vunpack.i.l.bf16.f32 v55;
	v57 =	vunpack.i.u.bf16.f32 v22  }
0x160: {  	v22 =	vunpack.i.l.bf16.f32 v22;
	v23 =	vadd.f32 v26, v23;
	v24 =	vadd.f32 v24, v25  }
0x161: {  	v60 =	vmul.f32 v56, v15;
	v61 =	vmul.f32 v58, v7;
	v59 =	vmax.bf16 v30, v32  }
0x162: {  	v19 =	vmax.bf16 v29, v19;
	v23 =	vadd.f32 v28, v23;
	v24 =	vadd.f32 v31, v24  }
0x163: {  	v62 =	vmul.f32 v57, v16;
	v22 =	vmul.f32 v22, v8;
	v19 =	vmax.bf16 v59, v19  }
0x164: {  	v25 =	vunpack.i.l.bf16.f32 v19;
	v23 =	vadd.f32 v61, v23;
	v24 =	vadd.f32 v60, v24  }
0x165: {  	v19 =	vunpack.i.u.bf16.f32 v19;
	v25 =	vmul.f32 v25, v9  }
0x166: {  	v19 =	vmul.f32 v19, v17;
	v22 =	vadd.f32 v22, v23;
	v63 =	vadd.f32 v62, v24;
	_ =	sdelay $0x1  }
0x167: {  	v22 =	vadd.f32 v25, v22;
	v19 =	vadd.f32 v19, v63;
	_ =	sdelay $0x1  }
0x168: {  	v19 =	vadd.f32 v22, v19;
	_ =	sdelay $0x1  }
0x169: {  	(xrf2) =	vadd.scan.msk.f32 $0xffff, v19;
	_ =	sdelay $0x6  }
0x16a: {  	v19, _, _ =	vpop (xrf2)  }
0x16b: {  	(v2sf) =	vpush v19, $0xF;
	_ =	sdelay $0x1  }
0x16c: {  	v19, _, _ =	vpop (xrf2)  }
0x16d: {  	(v2sf) =	vpush v19, $0xF;
	_ =	sdelay $0xb  }
0x16e: {  	s19 =	spop (v2sf)  }
0x16f: {  	s3 =	sadd.f32 s19, s30;
	s19 =	sshll.u32 s0, $0x4;
	s0 =	sadd.s32 $0x1, s0  }
0x170: {  	p1 =	sne.s32 s0, $0x4  }
.Ltmp4:
0x171: {  	s11 =	sadd.s32 $0x1, s11;
	s18 =	spop (v2sf);
	(pc) =	sbr.rel @p1 .LBB2_9-.Ltmp4, $4  }
0x172: {  	vm0 =	veq.s32 v21, v1;
	v19 =	vmov s11;
	s18 =	sadd.f32 s18, s30  }
0x173: {  	vm15 =	veq.s32 v19, v1;
	v20 =	vsel vm0, s3, v20  }
0x174: {  	s19 =	sand.u32 $0x3FFFFFF0, s19;
	v19 =	vsel vm15, s18, v20  }
0x175: {  	s2 =	sadd.s32 $0x800, s2;
	[tilespmem:v18+s19+$0x0 ss:$0x1] =	vst.idx.msk $0xffff, v19  }
.Ltmp5:
0x176: {  	(pc) =	sbr.rel @p0 .LBB2_4-.Ltmp5, $3  }
0x177: {  	_ =	sdelay $0x1  }
0x178: {  	s0 =	simm.s32 $0x200;
	p1 =	por $0x0, $0x0;
	s2 =	simm.s32 $0x103C0  }
0x179: {  	s3 =	simm.s32 $0x102C0;
	s11 =	simm.s32 $0x101C0;
	s18 =	simm.s32 $0x100C0  }
0x17a: {  	s29 =	sadd.s32 $0x1, s29  }
0x17b: {  	p0 =	sne.s32 s29, s10  }
.Ltmp6:
0x17c: {  	_ = 	snop;
	(pc) =	sbr.rel @p0 .LBB2_1-.Ltmp6, $4  }
0x17d: {  	[hbm4b:s9+s4] =	stream.linear.scatter [tilespmem:s28], [sflag:$0x3], $0x100, $0x38;
	[tilespmem:$0x10610] =	vst v63  }
0x17e: {  	_ =	swait.ge [sflag:s12], $0x100  }
0x17f: {  	[sflag:s12] =	ssyncset.done $0x0  }
0x180: {  	[sflag:s12] =	ssyncadd.s32 $0xFFFFFF00  }
0x181: {  	_ =	sfence.sel $0x180000  }
0x182: {  	[bflag:$0x0] =	sbarrier.arrive $0xFFFF  }
0x183: {  	_ =	strace $0x90000047  }
0x184: {  	s0 =	stileid.u32;
	[bflag:$0x2] =	sbarrier.arrive $0xFFFF  }
0x185: {  	p0 =	sne.s32 s0, $0x0;
	s0 =	rddreg [dreg:$0x4]  }
0x186: {  	s0 =	sadd.s32 @!p0 $0x100000, s0  }
0x187: {  	[sflag:s0] =	ssyncadd.tile.s32 @!p0 $0x1;
	_ =	shalt  }
.Lfunc_end2:
_tile_overlayer_lowered:
.L_overlay_start_2:
0x188: {  	(tag) =	ssettag $0x2  }
0x189: {  	s0 =	rddreg [dreg:$0x0];
	s2 =	stileid.u32  }
0x18a: {  	s1 =	rddreg [dreg:$0x1];
	p0 =	sne.s32 s2, $0x0  }
0x18b: {  	s3 =	rddreg [dreg:$0x2];
	[bflag:$0x3] =	sbarrier.arrive $0xFFFF;
	s2 =	simm.s32 @!p0 $0x1C03  }
0x18c: {  	[timem:s3], [sflag:s2] =	dma.local @!p0 [hbm:s0], s1  }
0x18d: {  	s0 =	simm.s32 @!p0 $0x3  }
0x18e: {  	_ =	swait.ge @!p0 [sflag:s0], s1  }
0x18f: {  	s1 =	ssub.s32 @!p0 $0x0, s1;
	[sflag:s0] =	ssyncset.done @!p0 $0x0  }
0x190: {  	[sflag:s0] =	ssyncadd.s32 @!p0 s1  }
0x191: {  	[bflag:$0x3] =	sbarrier.arrive $0xFFFF  }
0x192: {  	_ =	shalt  }

</sc_bundles>
